<compile_context>
chip_gen: v7x
topology: tpu7x:2x2x1
jax: 0.10.2.dev20260603
libtpu: 0.0.44.dev20260713+nightly
codegen_flags: <defaults>
</compile_context>

<pallas_src>
import functools

import jax
import jax.numpy as jnp
from jax import lax
from jax.experimental import pallas as pl
from jax.experimental.pallas import tpu as pltpu
from jax.experimental.pallas import tpu_sc as plsc

D = 64
EPS = 1e-5
NC = 2
NS = 16
NW = NC * NS


def _permute(v, idx):
    dn = lax.GatherDimensionNumbers(
        offset_dims=(), collapsed_slice_dims=(0,), start_index_map=(0,))
    return lax.gather(v, idx[:, None], dn, slice_sizes=(1,),
                      mode=lax.GatherScatterMode.PROMISE_IN_BOUNDS)


def _rsqrt(v):
    i = lax.bitcast_convert_type(v, jnp.int32)
    i = jnp.int32(0x5F3759DF) - (i >> 1)
    y = lax.bitcast_convert_type(i, jnp.float32)
    y = y * (1.5 - (0.5 * v) * (y * y))
    return y


def _make_sc_kernel(B, S, V):
    rows_w = B // NW
    c1 = 128
    c2 = S - c1

    mesh = plsc.VectorSubcoreMesh(core_axis_name="c", subcore_axis_name="s")

    @functools.partial(
        pl.kernel,
        out_type=jax.ShapeDtypeStruct((B, D), jnp.float32),
        mesh=mesh,
        compiler_params=pltpu.CompilerParams(use_tc_tiling_on_sc=False),
        scratch_types=[
            pltpu.VMEM((rows_w, S), jnp.int32),
            pltpu.VMEM((2, S, D), jnp.float32),
            pltpu.VMEM((rows_w, D), jnp.float32),
            pltpu.VMEM((2 * D,), jnp.float32),
            pltpu.SemaphoreType.DMA,
        ],
    )
    def sc_kernel(x_hbm, table_hbm, gb_hbm, out_hbm, idx_v, rows_v, out_v,
                  gb_v, sem):
        wid = lax.axis_index("s") * NC + lax.axis_index("c")
        pltpu.sync_copy(x_hbm.at[pl.ds(wid * rows_w, rows_w)], idx_v)
        pltpu.sync_copy(gb_hbm, gb_v)

        gs = [gb_v[pl.ds(16 * i, 16)] for i in range(4)]
        bt = [gb_v[pl.ds(D + 16 * i, 16)] for i in range(4)]

        def fire_row(row, p):
            pltpu.async_copy(
                table_hbm.at[idx_v.at[row, pl.ds(0, c1)]],
                rows_v.at[p, pl.ds(0, c1)], sem)
            pltpu.async_copy(
                table_hbm.at[idx_v.at[row, pl.ds(c1, c2)]],
                rows_v.at[p, pl.ds(c1, c2)], sem)

        def wait_row(p):
            pltpu.make_async_copy(
                table_hbm.at[idx_v.at[0, pl.ds(0, c1)]],
                rows_v.at[p, pl.ds(0, c1)], sem).wait()
            pltpu.make_async_copy(
                table_hbm.at[idx_v.at[0, pl.ds(c1, c2)]],
                rows_v.at[p, pl.ds(c1, c2)], sem).wait()

        lanes = lax.iota(jnp.int32, 16)
        rot8 = (lanes + 8) & 15
        rots_h = [(lanes & 8) | ((lanes + sh) & 7) for sh in (4, 2, 1)]
        low_half = lanes < 8
        bcast0 = jnp.zeros((16,), jnp.int32)
        bcast8 = jnp.full((16,), 8, jnp.int32)
        z = jnp.zeros((16,), jnp.float32)

        fire_row(0, 0)

        def row_pair(bb, carry):
            for p in range(2):
                row = bb * 2 + p
                wait_row(p)

                @pl.when(row + 1 < rows_w)
                def _():
                    fire_row(row + 1, 1 - p)

                def tok_body(t, accs):
                    a0, a1, a2, a3, am = accs
                    v = [rows_v[p, t, pl.ds(16 * i, 16)] for i in range(4)]
                    s = (v[0] + v[1]) + (v[2] + v[3])
                    q = ((v[0] * v[0] + v[1] * v[1])
                         + (v[2] * v[2] + v[3] * v[3]))
                    w = jnp.where(low_half,
                                  s + _permute(s, rot8),
                                  q + _permute(q, rot8))
                    for rot in rots_h:
                        w = w + _permute(w, rot)
                    mean = _permute(w, bcast0) * (1.0 / D)
                    qm = _permute(w, bcast8) * (1.0 / D)
                    r = _rsqrt((qm + EPS) - mean * mean)
                    return (a0 + v[0] * r, a1 + v[1] * r,
                            a2 + v[2] * r, a3 + v[3] * r, am + mean * r)

                a0, a1, a2, a3, am = lax.fori_loop(
                    0, S, tok_body, (z, z, z, z, z), unroll=4)
                accs = (a0, a1, a2, a3)
                for i in range(4):
                    out_v[row, pl.ds(16 * i, 16)] = (accs[i] - am) * gs[i] + bt[i]
            return carry

        lax.fori_loop(0, rows_w // 2, row_pair, 0)
        pltpu.sync_copy(out_v, out_hbm.at[pl.ds(wid * rows_w, rows_w)])

    return sc_kernel


def kernel(x, table, gamma, beta):
    B, S = x.shape
    V, d = table.shape
    gb = jnp.concatenate([gamma.astype(jnp.float32) / S,
                          beta.astype(jnp.float32)])
    return _make_sc_kernel(B, S, V)(x.astype(jnp.int32), table, gb)

# --- scband reference (transcript-rebuilt; emitter-appended) ---
"""Pipeline reference for scband-fast-text-encoder-33423435498201 (READ-ONLY COPY).

The authoritative reference and input builder live on the scoring server;
editing this copy changes nothing except your own understanding.
"""

import jax, jax.numpy as jnp
import numpy as np

VOCAB = 1000000
D = 64
B = 4096
S = 200
EPS = 1e-5


def setup_inputs(seed: int = 0) -> dict:
    key = jax.random.key(seed)
    k1, k2 = jax.random.split(key)
    table = jax.random.normal(k1, (VOCAB, D), dtype=jnp.float32) * 0.02
    # padding_idx=0 -> row 0 is zeros
    table = table.at[0].set(0.0)
    x = jax.random.randint(k2, (B, S), 0, VOCAB, dtype=jnp.int64)
    gamma = jnp.ones((D,), dtype=jnp.float32)
    beta = jnp.zeros((D,), dtype=jnp.float32)
    return {"x": x, "table": table, "gamma": gamma, "beta": beta}


def reference(x, table, gamma, beta):
    # Embedding lookup (gather)
    emb = jnp.take(table, x, axis=0)  # [B, S, D]
    # LayerNorm over last dim
    mu = jnp.mean(emb, axis=-1, keepdims=True)
    var = jnp.mean((emb - mu) ** 2, axis=-1, keepdims=True)
    normed = (emb - mu) / jnp.sqrt(var + EPS)
    y = normed * gamma + beta
    # sum over sequence dim, divide by seq_len (lens=None path)
    s = jnp.sum(y, axis=1)  # [B, D]
    out = s / jnp.float32(S)
    # Dropout with p=0.0 (eval) is identity
    return out

if __name__ == "__main__":
    import jax
    _d = setup_inputs()
    print(jax.jit(kernel)(*tuple(_d.values())))

</pallas_src>

<mosaic_0001>
#map = affine_map<(d0, d1) -> (0, 0)>
#map1 = affine_map<(d0, d1) -> (0)>
module attributes {stable_mosaic.version = 14 : i64} {
  func.func @sc_kernel(%arg0: i32, %arg1: i32, %arg2: memref<4096x200xi32, #tpu.memory_space<hbm>>, %arg3: memref<1000000x64xf32, #tpu.memory_space<hbm>>, %arg4: memref<128xf32, #tpu.memory_space<hbm>>, %arg5: memref<4096x64xf32, #tpu.memory_space<hbm>>, %arg6: memref<128x200xi32, #tpu.memory_space<vmem>>, %arg7: memref<2x200x64xf32, #tpu.memory_space<vmem>>, %arg8: memref<128x64xf32, #tpu.memory_space<vmem>>, %arg9: memref<128xf32, #tpu.memory_space<vmem>>, %arg10: memref<!tpu.dma_semaphore, #tpu.memory_space<semaphore_mem>>) attributes {dimension_semantics = [#tpu.dimension_semantics<core_parallel>, #tpu.dimension_semantics<subcore_parallel>], iteration_bounds = array<i64: 2, 16>, scalar_prefetch = 0 : i64, scratch_operands = 5 : i64, tpu.core_type = #tpu.core_type<sc_vector_subcore>, window_params = [{transform_indices = #map}, {transform_indices = #map}, {transform_indices = #map1}, {transform_indices = #map}]} {
    %mul3A = arith.constant 2 : i32
    %mul3A_0 = arith.muli %arg1, %mul3A : i32
    %add3A = arith.addi %mul3A_0, %arg0 : i32
    %mul3A_1 = arith.constant 128 : i32
    %mul3A_2 = arith.muli %add3A, %mul3A_1 : i32
    "tpu.region"() ({
      %run_scoped3A = tpu.sem_alloc : memref<!tpu.dma_semaphore, #tpu.memory_space<semaphore_mem>>
      %dma_start3A_97 = arith.constant 0 : i32
      %dma_start3A_98 = tpu.memref_slice %arg2[%mul3A_2, %dma_start3A_97] : memref<4096x200xi32, #tpu.memory_space<hbm>> -> memref<128x200xi32, #tpu.memory_space<hbm>>
      %dma_start3A_99 = arith.constant 0 : i32
      %dma_start3A_100 = tpu.memref_slice %arg2[%mul3A_2, %dma_start3A_99] : memref<4096x200xi32, #tpu.memory_space<hbm>> -> memref<128x200xi32, #tpu.memory_space<hbm>>
      tpu.enqueue_dma source(%dma_start3A_100 : memref<128x200xi32, #tpu.memory_space<hbm>>) target(%arg6 : memref<128x200xi32, #tpu.memory_space<vmem>>) target_semaphore(%run_scoped3A : memref<!tpu.dma_semaphore, #tpu.memory_space<semaphore_mem>>)
      %dma_wait3A = arith.constant 0 : i32
      %dma_wait3A_101 = tpu.memref_slice %arg2[%mul3A_2, %dma_wait3A] : memref<4096x200xi32, #tpu.memory_space<hbm>> -> memref<128x200xi32, #tpu.memory_space<hbm>>
      %dma_wait3A_102 = arith.constant 0 : i32
      %dma_wait3A_103 = tpu.memref_slice %arg2[%mul3A_2, %dma_wait3A_102] : memref<4096x200xi32, #tpu.memory_space<hbm>> -> memref<128x200xi32, #tpu.memory_space<hbm>>
      tpu.wait_dma2 semaphore(%run_scoped3A : memref<!tpu.dma_semaphore, #tpu.memory_space<semaphore_mem>>) src(%dma_wait3A_103 : memref<128x200xi32, #tpu.memory_space<hbm>>) dst(%arg6 : memref<128x200xi32, #tpu.memory_space<vmem>>)
      tpu.yield
    }) : () -> ()
    "tpu.region"() ({
      %run_scoped3A = tpu.sem_alloc : memref<!tpu.dma_semaphore, #tpu.memory_space<semaphore_mem>>
      tpu.enqueue_dma source(%arg4 : memref<128xf32, #tpu.memory_space<hbm>>) target(%arg9 : memref<128xf32, #tpu.memory_space<vmem>>) target_semaphore(%run_scoped3A : memref<!tpu.dma_semaphore, #tpu.memory_space<semaphore_mem>>)
      tpu.wait_dma2 semaphore(%run_scoped3A : memref<!tpu.dma_semaphore, #tpu.memory_space<semaphore_mem>>) src(%arg4 : memref<128xf32, #tpu.memory_space<hbm>>) dst(%arg9 : memref<128xf32, #tpu.memory_space<vmem>>)
      tpu.yield
    }) : () -> ()
    %get3A = arith.constant 0 : index
    %get3A_3 = tpu.vector_load %arg9[%get3A] {strides = array<i32>} : memref<128xf32, #tpu.memory_space<vmem>>, vector<16xf32>,
    %get3A_4 = vector.shape_cast %get3A_3 : vector<16xf32> to vector<16xf32>
    %get3A_5 = arith.constant 16 : index
    %get3A_6 = tpu.vector_load %arg9[%get3A_5] {strides = array<i32>} : memref<128xf32, #tpu.memory_space<vmem>>, vector<16xf32>,
    %get3A_7 = vector.shape_cast %get3A_6 : vector<16xf32> to vector<16xf32>
    %get3A_8 = arith.constant 32 : index
    %get3A_9 = tpu.vector_load %arg9[%get3A_8] {strides = array<i32>} : memref<128xf32, #tpu.memory_space<vmem>>, vector<16xf32>,
    %get3A_10 = vector.shape_cast %get3A_9 : vector<16xf32> to vector<16xf32>
    %get3A_11 = arith.constant 48 : index
    %get3A_12 = tpu.vector_load %arg9[%get3A_11] {strides = array<i32>} : memref<128xf32, #tpu.memory_space<vmem>>, vector<16xf32>,
    %get3A_13 = vector.shape_cast %get3A_12 : vector<16xf32> to vector<16xf32>
    %get3A_14 = arith.constant 64 : index
    %get3A_15 = tpu.vector_load %arg9[%get3A_14] {strides = array<i32>} : memref<128xf32, #tpu.memory_space<vmem>>, vector<16xf32>,
    %get3A_16 = vector.shape_cast %get3A_15 : vector<16xf32> to vector<16xf32>
    %get3A_17 = arith.constant 80 : index
    %get3A_18 = tpu.vector_load %arg9[%get3A_17] {strides = array<i32>} : memref<128xf32, #tpu.memory_space<vmem>>, vector<16xf32>,
    %get3A_19 = vector.shape_cast %get3A_18 : vector<16xf32> to vector<16xf32>
    %get3A_20 = arith.constant 96 : index
    %get3A_21 = tpu.vector_load %arg9[%get3A_20] {strides = array<i32>} : memref<128xf32, #tpu.memory_space<vmem>>, vector<16xf32>,
    %get3A_22 = vector.shape_cast %get3A_21 : vector<16xf32> to vector<16xf32>
    %get3A_23 = arith.constant 112 : index
    %get3A_24 = tpu.vector_load %arg9[%get3A_23] {strides = array<i32>} : memref<128xf32, #tpu.memory_space<vmem>>, vector<16xf32>,
    %get3A_25 = vector.shape_cast %get3A_24 : vector<16xf32> to vector<16xf32>
    %iota3A = tpu.iota {dimensions = array<i32: 0>} : vector<16xi32>
    %add3A_26 = arith.constant 8 : i32
    %add3A_27 = vector.broadcast %add3A_26 : i32 to vector<16xi32>
    %add3A_28 = arith.addi %iota3A, %add3A_27 : vector<16xi32>
    %and3A = arith.constant 15 : i32
    %and3A_29 = vector.broadcast %and3A : i32 to vector<16xi32>
    %and3A_30 = arith.andi %add3A_28, %and3A_29 : vector<16xi32>
    %and3A_31 = arith.constant 8 : i32
    %and3A_32 = vector.broadcast %and3A_31 : i32 to vector<16xi32>
    %and3A_33 = arith.andi %iota3A, %and3A_32 : vector<16xi32>
    %add3A_34 = arith.constant 4 : i32
    %add3A_35 = vector.broadcast %add3A_34 : i32 to vector<16xi32>
    %add3A_36 = arith.addi %iota3A, %add3A_35 : vector<16xi32>
    %and3A_37 = arith.constant 7 : i32
    %and3A_38 = vector.broadcast %and3A_37 : i32 to vector<16xi32>
    %and3A_39 = arith.andi %add3A_36, %and3A_38 : vector<16xi32>
    %or3A = arith.ori %and3A_33, %and3A_39 : vector<16xi32>
    %and3A_40 = arith.constant 8 : i32
    %and3A_41 = vector.broadcast %and3A_40 : i32 to vector<16xi32>
    %and3A_42 = arith.andi %iota3A, %and3A_41 : vector<16xi32>
    %add3A_43 = arith.constant 2 : i32
    %add3A_44 = vector.broadcast %add3A_43 : i32 to vector<16xi32>
    %add3A_45 = arith.addi %iota3A, %add3A_44 : vector<16xi32>
    %and3A_46 = arith.constant 7 : i32
    %and3A_47 = vector.broadcast %and3A_46 : i32 to vector<16xi32>
    %and3A_48 = arith.andi %add3A_45, %and3A_47 : vector<16xi32>
    %or3A_49 = arith.ori %and3A_42, %and3A_48 : vector<16xi32>
    %and3A_50 = arith.constant 8 : i32
    %and3A_51 = vector.broadcast %and3A_50 : i32 to vector<16xi32>
    %and3A_52 = arith.andi %iota3A, %and3A_51 : vector<16xi32>
    %add3A_53 = arith.constant 1 : i32
    %add3A_54 = vector.broadcast %add3A_53 : i32 to vector<16xi32>
    %add3A_55 = arith.addi %iota3A, %add3A_54 : vector<16xi32>
    %and3A_56 = arith.constant 7 : i32
    %and3A_57 = vector.broadcast %and3A_56 : i32 to vector<16xi32>
    %and3A_58 = arith.andi %add3A_55, %and3A_57 : vector<16xi32>
    %or3A_59 = arith.ori %and3A_52, %and3A_58 : vector<16xi32>
    %lt3A = arith.constant 8 : i32
    %lt3A_60 = vector.broadcast %lt3A : i32 to vector<16xi32>
    %lt3A_61 = arith.cmpi slt, %iota3A, %lt3A_60 : vector<16xi32>
    %broadcast_in_dim3A = arith.constant 0 : i32
    %broadcast_in_dim3A_62 = vector.broadcast %broadcast_in_dim3A : i32 to vector<16xi32>
    %broadcast_in_dim3A_63 = arith.constant 8 : i32
    %broadcast_in_dim3A_64 = vector.broadcast %broadcast_in_dim3A_63 : i32 to vector<16xi32>
    %broadcast_in_dim3A_65 = arith.constant 0.000000e+00 : f32
    %broadcast_in_dim3A_66 = vector.broadcast %broadcast_in_dim3A_65 : f32 to vector<16xf32>
    %dma_start3A = arith.constant 0 : i32
    %dma_start3A_67 = arith.constant 0 : i32
    %dma_start3A_68 = arith.constant 0 : i32
    %dma_start3A_69 = arith.constant 0 : i32
    %dma_start3A_70 = tpu.memref_slice %arg7[%dma_start3A_67, %dma_start3A_68, %dma_start3A_69] : memref<2x200x64xf32, #tpu.memory_space<vmem>> -> memref<1x128x64xf32, #tpu.memory_space<vmem>>
    %dma_start3A_71 = tpu.memref_squeeze %dma_start3A_70 : memref<1x128x64xf32, #tpu.memory_space<vmem>> -> memref<128x64xf32, #tpu.memory_space<vmem>>
    %dma_start3A_72 = arith.constant 0 : i32
    %dma_start3A_73 = tpu.memref_slice %arg6[%dma_start3A, %dma_start3A_72] : memref<128x200xi32, #tpu.memory_space<vmem>> -> memref<1x128xi32, #tpu.memory_space<vmem>>
    %dma_start3A_74 = tpu.memref_squeeze %dma_start3A_73 : memref<1x128xi32, #tpu.memory_space<vmem>> -> memref<128xi32, #tpu.memory_space<vmem>>
    %dma_start3A_75 = arith.constant 0 : i32
    %dma_start3A_76 = arith.constant 0 : i32
    %dma_start3A_77 = tpu.memref_slice %arg3[%dma_start3A_75, %dma_start3A_76] : memref<1000000x64xf32, #tpu.memory_space<hbm>> -> memref<1000000x64xf32, #tpu.memory_space<hbm>>
    tpu.enqueue_indirect_dma source(%dma_start3A_77 : memref<1000000x64xf32, #tpu.memory_space<hbm>>) target(%dma_start3A_71 : memref<128x64xf32, #tpu.memory_space<vmem>>) offsets(%dma_start3A_74 : memref<128xi32, #tpu.memory_space<vmem>>) semaphore(%arg10 : memref<!tpu.dma_semaphore, #tpu.memory_space<semaphore_mem>>)
    %dma_start3A_78 = arith.constant 0 : i32
    %dma_start3A_79 = arith.constant 0 : i32
    %dma_start3A_80 = arith.constant 128 : i32
    %dma_start3A_81 = arith.constant 0 : i32
    %dma_start3A_82 = tpu.memref_slice %arg7[%dma_start3A_79, %dma_start3A_80, %dma_start3A_81] : memref<2x200x64xf32, #tpu.memory_space<vmem>> -> memref<1x72x64xf32, #tpu.memory_space<vmem>>
    %dma_start3A_83 = tpu.memref_squeeze %dma_start3A_82 : memref<1x72x64xf32, #tpu.memory_space<vmem>> -> memref<72x64xf32, #tpu.memory_space<vmem>>
    %dma_start3A_84 = arith.constant 128 : i32
    %dma_start3A_85 = tpu.memref_slice %arg6[%dma_start3A_78, %dma_start3A_84] : memref<128x200xi32, #tpu.memory_space<vmem>> -> memref<1x72xi32, #tpu.memory_space<vmem>>
    %dma_start3A_86 = tpu.memref_squeeze %dma_start3A_85 : memref<1x72xi32, #tpu.memory_space<vmem>> -> memref<72xi32, #tpu.memory_space<vmem>>
    %dma_start3A_87 = arith.constant 0 : i32
    %dma_start3A_88 = arith.constant 0 : i32
    %dma_start3A_89 = tpu.memref_slice %arg3[%dma_start3A_87, %dma_start3A_88] : memref<1000000x64xf32, #tpu.memory_space<hbm>> -> memref<1000000x64xf32, #tpu.memory_space<hbm>>
    tpu.enqueue_indirect_dma source(%dma_start3A_89 : memref<1000000x64xf32, #tpu.memory_space<hbm>>) target(%dma_start3A_83 : memref<72x64xf32, #tpu.memory_space<vmem>>) offsets(%dma_start3A_86 : memref<72xi32, #tpu.memory_space<vmem>>) semaphore(%arg10 : memref<!tpu.dma_semaphore, #tpu.memory_space<semaphore_mem>>)
    %scan3A = arith.constant 0 : i32
    %scan3A_90 = arith.constant 0 : i32
    %scan3A_91 = arith.constant 64 : i32
    %scan3A_92 = arith.addi %scan3A_90, %scan3A_91 : i32
    %scan3A_93 = arith.constant 1 : i32
    scf.for %scan3A_97 = %scan3A_90 to %scan3A_92 step %scan3A_93  : i32 {
      %mul3A_98 = arith.constant 2 : i32
      %mul3A_99 = arith.muli %scan3A_97, %mul3A_98 : i32
      %add3A_100 = arith.constant 0 : i32
      %add3A_101 = arith.addi %mul3A_99, %add3A_100 : i32
      %dma_wait3A = arith.constant 0 : i32
      %dma_wait3A_102 = arith.constant 0 : i32
      %dma_wait3A_103 = arith.constant 0 : i32
      %dma_wait3A_104 = arith.constant 0 : i32
      %dma_wait3A_105 = tpu.memref_slice %arg7[%dma_wait3A_102, %dma_wait3A_103, %dma_wait3A_104] : memref<2x200x64xf32, #tpu.memory_space<vmem>> -> memref<1x128x64xf32, #tpu.memory_space<vmem>>
      %dma_wait3A_106 = tpu.memref_squeeze %dma_wait3A_105 : memref<1x128x64xf32, #tpu.memory_space<vmem>> -> memref<128x64xf32, #tpu.memory_space<vmem>>
      %dma_wait3A_107 = arith.constant 0 : i32
      %dma_wait3A_108 = tpu.memref_slice %arg6[%dma_wait3A, %dma_wait3A_107] : memref<128x200xi32, #tpu.memory_space<vmem>> -> memref<1x128xi32, #tpu.memory_space<vmem>>
      %dma_wait3A_109 = tpu.memref_squeeze %dma_wait3A_108 : memref<1x128xi32, #tpu.memory_space<vmem>> -> memref<128xi32, #tpu.memory_space<vmem>>
      %dma_wait3A_110 = arith.constant 0 : i32
      %dma_wait3A_111 = arith.constant 0 : i32
      %dma_wait3A_112 = tpu.memref_slice %arg3[%dma_wait3A_110, %dma_wait3A_111] : memref<1000000x64xf32, #tpu.memory_space<hbm>> -> memref<1000000x64xf32, #tpu.memory_space<hbm>>
      tpu.wait_indirect_dma semaphore(%arg10 : memref<!tpu.dma_semaphore, #tpu.memory_space<semaphore_mem>>) src(%dma_wait3A_112 : memref<1000000x64xf32, #tpu.memory_space<hbm>>) dst(%dma_wait3A_106 : memref<128x64xf32, #tpu.memory_space<vmem>>)
      %dma_wait3A_113 = arith.constant 0 : i32
      %dma_wait3A_114 = arith.constant 0 : i32
      %dma_wait3A_115 = arith.constant 128 : i32
      %dma_wait3A_116 = arith.constant 0 : i32
      %dma_wait3A_117 = tpu.memref_slice %arg7[%dma_wait3A_114, %dma_wait3A_115, %dma_wait3A_116] : memref<2x200x64xf32, #tpu.memory_space<vmem>> -> memref<1x72x64xf32, #tpu.memory_space<vmem>>
      %dma_wait3A_118 = tpu.memref_squeeze %dma_wait3A_117 : memref<1x72x64xf32, #tpu.memory_space<vmem>> -> memref<72x64xf32, #tpu.memory_space<vmem>>
      %dma_wait3A_119 = arith.constant 128 : i32
      %dma_wait3A_120 = tpu.memref_slice %arg6[%dma_wait3A_113, %dma_wait3A_119] : memref<128x200xi32, #tpu.memory_space<vmem>> -> memref<1x72xi32, #tpu.memory_space<vmem>>
      %dma_wait3A_121 = tpu.memref_squeeze %dma_wait3A_120 : memref<1x72xi32, #tpu.memory_space<vmem>> -> memref<72xi32, #tpu.memory_space<vmem>>
      %dma_wait3A_122 = arith.constant 0 : i32
      %dma_wait3A_123 = arith.constant 0 : i32
      %dma_wait3A_124 = tpu.memref_slice %arg3[%dma_wait3A_122, %dma_wait3A_123] : memref<1000000x64xf32, #tpu.memory_space<hbm>> -> memref<1000000x64xf32, #tpu.memory_space<hbm>>
      tpu.wait_indirect_dma semaphore(%arg10 : memref<!tpu.dma_semaphore, #tpu.memory_space<semaphore_mem>>) src(%dma_wait3A_124 : memref<1000000x64xf32, #tpu.memory_space<hbm>>) dst(%dma_wait3A_118 : memref<72x64xf32, #tpu.memory_space<vmem>>)
      %add3A_125 = arith.constant 1 : i32
      %add3A_126 = arith.addi %add3A_101, %add3A_125 : i32
      %lt3A_127 = arith.constant 128 : i32
      %lt3A_128 = arith.cmpi slt, %add3A_126, %lt3A_127 : i32
      %convert_element_type3A = arith.extui %lt3A_128 : i1 to i32
      %cond3A = arith.constant 0 : i32
      %cond3A_129 = arith.cmpi ne, %convert_element_type3A, %cond3A : i32
      scf.if %cond3A_129 {
        %add3A_239 = arith.constant 1 : i32
        %add3A_240 = arith.addi %add3A_101, %add3A_239 : i32
        %dma_start3A_241 = arith.constant 1 : i32
        %dma_start3A_242 = arith.constant 0 : i32
        %dma_start3A_243 = arith.constant 0 : i32
        %dma_start3A_244 = tpu.memref_slice %arg7[%dma_start3A_241, %dma_start3A_242, %dma_start3A_243] : memref<2x200x64xf32, #tpu.memory_space<vmem>> -> memref<1x128x64xf32, #tpu.memory_space<vmem>>
        %dma_start3A_245 = tpu.memref_squeeze %dma_start3A_244 : memref<1x128x64xf32, #tpu.memory_space<vmem>> -> memref<128x64xf32, #tpu.memory_space<vmem>>
        %dma_start3A_246 = arith.constant 0 : i32
        %dma_start3A_247 = tpu.memref_slice %arg6[%add3A_240, %dma_start3A_246] : memref<128x200xi32, #tpu.memory_space<vmem>> -> memref<1x128xi32, #tpu.memory_space<vmem>>
        %dma_start3A_248 = tpu.memref_squeeze %dma_start3A_247 : memref<1x128xi32, #tpu.memory_space<vmem>> -> memref<128xi32, #tpu.memory_space<vmem>>
        %dma_start3A_249 = arith.constant 0 : i32
        %dma_start3A_250 = arith.constant 0 : i32
        %dma_start3A_251 = tpu.memref_slice %arg3[%dma_start3A_249, %dma_start3A_250] : memref<1000000x64xf32, #tpu.memory_space<hbm>> -> memref<1000000x64xf32, #tpu.memory_space<hbm>>
        tpu.enqueue_indirect_dma source(%dma_start3A_251 : memref<1000000x64xf32, #tpu.memory_space<hbm>>) target(%dma_start3A_245 : memref<128x64xf32, #tpu.memory_space<vmem>>) offsets(%dma_start3A_248 : memref<128xi32, #tpu.memory_space<vmem>>) semaphore(%arg10 : memref<!tpu.dma_semaphore, #tpu.memory_space<semaphore_mem>>)
        %dma_start3A_252 = arith.constant 1 : i32
        %dma_start3A_253 = arith.constant 128 : i32
        %dma_start3A_254 = arith.constant 0 : i32
        %dma_start3A_255 = tpu.memref_slice %arg7[%dma_start3A_252, %dma_start3A_253, %dma_start3A_254] : memref<2x200x64xf32, #tpu.memory_space<vmem>> -> memref<1x72x64xf32, #tpu.memory_space<vmem>>
        %dma_start3A_256 = tpu.memref_squeeze %dma_start3A_255 : memref<1x72x64xf32, #tpu.memory_space<vmem>> -> memref<72x64xf32, #tpu.memory_space<vmem>>
        %dma_start3A_257 = arith.constant 128 : i32
        %dma_start3A_258 = tpu.memref_slice %arg6[%add3A_240, %dma_start3A_257] : memref<128x200xi32, #tpu.memory_space<vmem>> -> memref<1x72xi32, #tpu.memory_space<vmem>>
        %dma_start3A_259 = tpu.memref_squeeze %dma_start3A_258 : memref<1x72xi32, #tpu.memory_space<vmem>> -> memref<72xi32, #tpu.memory_space<vmem>>
        %dma_start3A_260 = arith.constant 0 : i32
        %dma_start3A_261 = arith.constant 0 : i32
        %dma_start3A_262 = tpu.memref_slice %arg3[%dma_start3A_260, %dma_start3A_261] : memref<1000000x64xf32, #tpu.memory_space<hbm>> -> memref<1000000x64xf32, #tpu.memory_space<hbm>>
        tpu.enqueue_indirect_dma source(%dma_start3A_262 : memref<1000000x64xf32, #tpu.memory_space<hbm>>) target(%dma_start3A_256 : memref<72x64xf32, #tpu.memory_space<vmem>>) offsets(%dma_start3A_259 : memref<72xi32, #tpu.memory_space<vmem>>) semaphore(%arg10 : memref<!tpu.dma_semaphore, #tpu.memory_space<semaphore_mem>>)
      } else {
      }
      %scan3A_130 = arith.constant 0 : i32
      %scan3A_131 = arith.constant 200 : i32
      %scan3A_132 = arith.addi %scan3A_130, %scan3A_131 : i32
      %scan3A_133 = arith.constant 4 : i32
      %scan3A_134:5 = scf.for %scan3A_239 = %scan3A_130 to %scan3A_132 step %scan3A_133 iter_args(%scan3A_240 = %broadcast_in_dim3A_66, %scan3A_241 = %broadcast_in_dim3A_66, %scan3A_242 = %broadcast_in_dim3A_66, %scan3A_243 = %broadcast_in_dim3A_66, %scan3A_244 = %broadcast_in_dim3A_66) -> (vector<16xf32>, vector<16xf32>, vector<16xf32>, vector<16xf32>, vector<16xf32>)  : i32 {
        %get3A_245 = arith.constant 0 : i32
        %get3A_246 = arith.index_cast %get3A_245 : i32 to index
        %get3A_247 = arith.index_cast %scan3A_239 : i32 to index
        %get3A_248 = arith.constant 0 : index
        %get3A_249 = tpu.vector_load %arg7[%get3A_246, %get3A_247, %get3A_248] {strides = array<i32>} : memref<2x200x64xf32, #tpu.memory_space<vmem>>, vector<1x1x16xf32>,
        %get3A_250 = vector.shape_cast %get3A_249 : vector<1x1x16xf32> to vector<16xf32>
        %get3A_251 = arith.constant 0 : i32
        %get3A_252 = arith.index_cast %get3A_251 : i32 to index
        %get3A_253 = arith.index_cast %scan3A_239 : i32 to index
        %get3A_254 = arith.constant 16 : index
        %get3A_255 = tpu.vector_load %arg7[%get3A_252, %get3A_253, %get3A_254] {strides = array<i32>} : memref<2x200x64xf32, #tpu.memory_space<vmem>>, vector<1x1x16xf32>,
        %get3A_256 = vector.shape_cast %get3A_255 : vector<1x1x16xf32> to vector<16xf32>
        %get3A_257 = arith.constant 0 : i32
        %get3A_258 = arith.index_cast %get3A_257 : i32 to index
        %get3A_259 = arith.index_cast %scan3A_239 : i32 to index
        %get3A_260 = arith.constant 32 : index
        %get3A_261 = tpu.vector_load %arg7[%get3A_258, %get3A_259, %get3A_260] {strides = array<i32>} : memref<2x200x64xf32, #tpu.memory_space<vmem>>, vector<1x1x16xf32>,
        %get3A_262 = vector.shape_cast %get3A_261 : vector<1x1x16xf32> to vector<16xf32>
        %get3A_263 = arith.constant 0 : i32
        %get3A_264 = arith.index_cast %get3A_263 : i32 to index
        %get3A_265 = arith.index_cast %scan3A_239 : i32 to index
        %get3A_266 = arith.constant 48 : index
        %get3A_267 = tpu.vector_load %arg7[%get3A_264, %get3A_265, %get3A_266] {strides = array<i32>} : memref<2x200x64xf32, #tpu.memory_space<vmem>>, vector<1x1x16xf32>,
        %get3A_268 = vector.shape_cast %get3A_267 : vector<1x1x16xf32> to vector<16xf32>
        %add3A_269 = arith.addf %get3A_250, %get3A_256 : vector<16xf32>
        %add3A_270 = arith.addf %get3A_262, %get3A_268 : vector<16xf32>
        %add3A_271 = arith.addf %add3A_269, %add3A_270 : vector<16xf32>
        %mul3A_272 = arith.mulf %get3A_250, %get3A_250 : vector<16xf32>
        %mul3A_273 = arith.mulf %get3A_256, %get3A_256 : vector<16xf32>
        %add3A_274 = arith.addf %mul3A_272, %mul3A_273 : vector<16xf32>
        %mul3A_275 = arith.mulf %get3A_262, %get3A_262 : vector<16xf32>
        %mul3A_276 = arith.mulf %get3A_268, %get3A_268 : vector<16xf32>
        %add3A_277 = arith.addf %mul3A_275, %mul3A_276 : vector<16xf32>
        %add3A_278 = arith.addf %add3A_274, %add3A_277 : vector<16xf32>
        %broadcast_in_dim3A_279 = vector.shape_cast %and3A_30 : vector<16xi32> to vector<16x1xi32>
        %gather3A = vector.shape_cast %broadcast_in_dim3A_279 : vector<16x1xi32> to vector<16xi32>
        %gather3A_280 = tpu.dynamic_gather %add3A_271[%gather3A] in [0] : vector<16xf32>, vector<16xi32> -> vector<16xf32>
        %add3A_281 = arith.addf %add3A_271, %gather3A_280 : vector<16xf32>
        %broadcast_in_dim3A_282 = vector.shape_cast %and3A_30 : vector<16xi32> to vector<16x1xi32>
        %gather3A_283 = vector.shape_cast %broadcast_in_dim3A_282 : vector<16x1xi32> to vector<16xi32>
        %gather3A_284 = tpu.dynamic_gather %add3A_278[%gather3A_283] in [0] : vector<16xf32>, vector<16xi32> -> vector<16xf32>
        %add3A_285 = arith.addf %add3A_278, %gather3A_284 : vector<16xf32>
        %select_n3A = arith.select %lt3A_61, %add3A_281, %add3A_285 : vector<16xi1>, vector<16xf32>
        %broadcast_in_dim3A_286 = vector.shape_cast %or3A : vector<16xi32> to vector<16x1xi32>
        %gather3A_287 = vector.shape_cast %broadcast_in_dim3A_286 : vector<16x1xi32> to vector<16xi32>
        %gather3A_288 = tpu.dynamic_gather %select_n3A[%gather3A_287] in [0] : vector<16xf32>, vector<16xi32> -> vector<16xf32>
        %add3A_289 = arith.addf %select_n3A, %gather3A_288 : vector<16xf32>
        %broadcast_in_dim3A_290 = vector.shape_cast %or3A_49 : vector<16xi32> to vector<16x1xi32>
        %gather3A_291 = vector.shape_cast %broadcast_in_dim3A_290 : vector<16x1xi32> to vector<16xi32>
        %gather3A_292 = tpu.dynamic_gather %add3A_289[%gather3A_291] in [0] : vector<16xf32>, vector<16xi32> -> vector<16xf32>
        %add3A_293 = arith.addf %add3A_289, %gather3A_292 : vector<16xf32>
        %broadcast_in_dim3A_294 = vector.shape_cast %or3A_59 : vector<16xi32> to vector<16x1xi32>
        %gather3A_295 = vector.shape_cast %broadcast_in_dim3A_294 : vector<16x1xi32> to vector<16xi32>
        %gather3A_296 = tpu.dynamic_gather %add3A_293[%gather3A_295] in [0] : vector<16xf32>, vector<16xi32> -> vector<16xf32>
        %add3A_297 = arith.addf %add3A_293, %gather3A_296 : vector<16xf32>
        %broadcast_in_dim3A_298 = vector.shape_cast %broadcast_in_dim3A_62 : vector<16xi32> to vector<16x1xi32>
        %gather3A_299 = vector.shape_cast %broadcast_in_dim3A_298 : vector<16x1xi32> to vector<16xi32>
        %gather3A_300 = tpu.dynamic_gather %add3A_297[%gather3A_299] in [0] : vector<16xf32>, vector<16xi32> -> vector<16xf32>
        %mul3A_301 = arith.constant 1.562500e-02 : f32
        %mul3A_302 = vector.broadcast %mul3A_301 : f32 to vector<16xf32>
        %mul3A_303 = arith.mulf %gather3A_300, %mul3A_302 : vector<16xf32>
        %broadcast_in_dim3A_304 = vector.shape_cast %broadcast_in_dim3A_64 : vector<16xi32> to vector<16x1xi32>
        %gather3A_305 = vector.shape_cast %broadcast_in_dim3A_304 : vector<16x1xi32> to vector<16xi32>
        %gather3A_306 = tpu.dynamic_gather %add3A_297[%gather3A_305] in [0] : vector<16xf32>, vector<16xi32> -> vector<16xf32>
        %mul3A_307 = arith.constant 1.562500e-02 : f32
        %mul3A_308 = vector.broadcast %mul3A_307 : f32 to vector<16xf32>
        %mul3A_309 = arith.mulf %gather3A_306, %mul3A_308 : vector<16xf32>
        %add3A_310 = arith.constant 9.99999974E-6 : f32
        %add3A_311 = vector.broadcast %add3A_310 : f32 to vector<16xf32>
        %add3A_312 = arith.addf %mul3A_309, %add3A_311 : vector<16xf32>
        %mul3A_313 = arith.mulf %mul3A_303, %mul3A_303 : vector<16xf32>
        %sub3A_314 = arith.subf %add3A_312, %mul3A_313 : vector<16xf32>
        %bitcast_convert_type3A = tpu.bitcast %sub3A_314 : vector<16xf32> -> vector<16xi32>
        %shift_right_arithmetic3A = arith.constant 1 : i32
        %shift_right_arithmetic3A_315 = vector.broadcast %shift_right_arithmetic3A : i32 to vector<16xi32>
        %shift_right_arithmetic3A_316 = arith.shrsi %bitcast_convert_type3A, %shift_right_arithmetic3A_315 : vector<16xi32>
        %sub3A_317 = arith.constant 1597463007 : i32
        %sub3A_318 = vector.broadcast %sub3A_317 : i32 to vector<16xi32>
        %sub3A_319 = arith.subi %sub3A_318, %shift_right_arithmetic3A_316 : vector<16xi32>
        %bitcast_convert_type3A_320 = tpu.bitcast %sub3A_319 : vector<16xi32> -> vector<16xf32>
        %mul3A_321 = arith.constant 5.000000e-01 : f32
        %mul3A_322 = vector.broadcast %mul3A_321 : f32 to vector<16xf32>
        %mul3A_323 = arith.mulf %mul3A_322, %sub3A_314 : vector<16xf32>
        %mul3A_324 = arith.mulf %bitcast_convert_type3A_320, %bitcast_convert_type3A_320 : vector<16xf32>
        %mul3A_325 = arith.mulf %mul3A_323, %mul3A_324 : vector<16xf32>
        %sub3A_326 = arith.constant 1.500000e+00 : f32
        %sub3A_327 = vector.broadcast %sub3A_326 : f32 to vector<16xf32>
        %sub3A_328 = arith.subf %sub3A_327, %mul3A_325 : vector<16xf32>
        %mul3A_329 = arith.mulf %bitcast_convert_type3A_320, %sub3A_328 : vector<16xf32>
        %mul3A_330 = arith.mulf %get3A_250, %mul3A_329 : vector<16xf32>
        %add3A_331 = arith.addf %scan3A_240, %mul3A_330 : vector<16xf32>
        %mul3A_332 = arith.mulf %get3A_256, %mul3A_329 : vector<16xf32>
        %add3A_333 = arith.addf %scan3A_241, %mul3A_332 : vector<16xf32>
        %mul3A_334 = arith.mulf %get3A_262, %mul3A_329 : vector<16xf32>
        %add3A_335 = arith.addf %scan3A_242, %mul3A_334 : vector<16xf32>
        %mul3A_336 = arith.mulf %get3A_268, %mul3A_329 : vector<16xf32>
        %add3A_337 = arith.addf %scan3A_243, %mul3A_336 : vector<16xf32>
        %mul3A_338 = arith.mulf %mul3A_303, %mul3A_329 : vector<16xf32>
        %add3A_339 = arith.addf %scan3A_244, %mul3A_338 : vector<16xf32>
        %scan3A_340 = arith.constant 1 : i32
        %scan3A_341 = arith.addi %scan3A_239, %scan3A_340 : i32
        %get3A_342 = arith.constant 0 : i32
        %get3A_343 = arith.index_cast %get3A_342 : i32 to index
        %get3A_344 = arith.index_cast %scan3A_341 : i32 to index
        %get3A_345 = arith.constant 0 : index
        %get3A_346 = tpu.vector_load %arg7[%get3A_343, %get3A_344, %get3A_345] {strides = array<i32>} : memref<2x200x64xf32, #tpu.memory_space<vmem>>, vector<1x1x16xf32>,
        %get3A_347 = vector.shape_cast %get3A_346 : vector<1x1x16xf32> to vector<16xf32>
        %get3A_348 = arith.constant 0 : i32
        %get3A_349 = arith.index_cast %get3A_348 : i32 to index
        %get3A_350 = arith.index_cast %scan3A_341 : i32 to index
        %get3A_351 = arith.constant 16 : index
        %get3A_352 = tpu.vector_load %arg7[%get3A_349, %get3A_350, %get3A_351] {strides = array<i32>} : memref<2x200x64xf32, #tpu.memory_space<vmem>>, vector<1x1x16xf32>,
        %get3A_353 = vector.shape_cast %get3A_352 : vector<1x1x16xf32> to vector<16xf32>
        %get3A_354 = arith.constant 0 : i32
        %get3A_355 = arith.index_cast %get3A_354 : i32 to index
        %get3A_356 = arith.index_cast %scan3A_341 : i32 to index
        %get3A_357 = arith.constant 32 : index
        %get3A_358 = tpu.vector_load %arg7[%get3A_355, %get3A_356, %get3A_357] {strides = array<i32>} : memref<2x200x64xf32, #tpu.memory_space<vmem>>, vector<1x1x16xf32>,
        %get3A_359 = vector.shape_cast %get3A_358 : vector<1x1x16xf32> to vector<16xf32>
        %get3A_360 = arith.constant 0 : i32
        %get3A_361 = arith.index_cast %get3A_360 : i32 to index
        %get3A_362 = arith.index_cast %scan3A_341 : i32 to index
        %get3A_363 = arith.constant 48 : index
        %get3A_364 = tpu.vector_load %arg7[%get3A_361, %get3A_362, %get3A_363] {strides = array<i32>} : memref<2x200x64xf32, #tpu.memory_space<vmem>>, vector<1x1x16xf32>,
        %get3A_365 = vector.shape_cast %get3A_364 : vector<1x1x16xf32> to vector<16xf32>
        %add3A_366 = arith.addf %get3A_347, %get3A_353 : vector<16xf32>
        %add3A_367 = arith.addf %get3A_359, %get3A_365 : vector<16xf32>
        %add3A_368 = arith.addf %add3A_366, %add3A_367 : vector<16xf32>
        %mul3A_369 = arith.mulf %get3A_347, %get3A_347 : vector<16xf32>
        %mul3A_370 = arith.mulf %get3A_353, %get3A_353 : vector<16xf32>
        %add3A_371 = arith.addf %mul3A_369, %mul3A_370 : vector<16xf32>
        %mul3A_372 = arith.mulf %get3A_359, %get3A_359 : vector<16xf32>
        %mul3A_373 = arith.mulf %get3A_365, %get3A_365 : vector<16xf32>
        %add3A_374 = arith.addf %mul3A_372, %mul3A_373 : vector<16xf32>
        %add3A_375 = arith.addf %add3A_371, %add3A_374 : vector<16xf32>
        %broadcast_in_dim3A_376 = vector.shape_cast %and3A_30 : vector<16xi32> to vector<16x1xi32>
        %gather3A_377 = vector.shape_cast %broadcast_in_dim3A_376 : vector<16x1xi32> to vector<16xi32>
        %gather3A_378 = tpu.dynamic_gather %add3A_368[%gather3A_377] in [0] : vector<16xf32>, vector<16xi32> -> vector<16xf32>
        %add3A_379 = arith.addf %add3A_368, %gather3A_378 : vector<16xf32>
        %broadcast_in_dim3A_380 = vector.shape_cast %and3A_30 : vector<16xi32> to vector<16x1xi32>
        %gather3A_381 = vector.shape_cast %broadcast_in_dim3A_380 : vector<16x1xi32> to vector<16xi32>
        %gather3A_382 = tpu.dynamic_gather %add3A_375[%gather3A_381] in [0] : vector<16xf32>, vector<16xi32> -> vector<16xf32>
        %add3A_383 = arith.addf %add3A_375, %gather3A_382 : vector<16xf32>
        %select_n3A_384 = arith.select %lt3A_61, %add3A_379, %add3A_383 : vector<16xi1>, vector<16xf32>
        %broadcast_in_dim3A_385 = vector.shape_cast %or3A : vector<16xi32> to vector<16x1xi32>
        %gather3A_386 = vector.shape_cast %broadcast_in_dim3A_385 : vector<16x1xi32> to vector<16xi32>
        %gather3A_387 = tpu.dynamic_gather %select_n3A_384[%gather3A_386] in [0] : vector<16xf32>, vector<16xi32> -> vector<16xf32>
        %add3A_388 = arith.addf %select_n3A_384, %gather3A_387 : vector<16xf32>
        %broadcast_in_dim3A_389 = vector.shape_cast %or3A_49 : vector<16xi32> to vector<16x1xi32>
        %gather3A_390 = vector.shape_cast %broadcast_in_dim3A_389 : vector<16x1xi32> to vector<16xi32>
        %gather3A_391 = tpu.dynamic_gather %add3A_388[%gather3A_390] in [0] : vector<16xf32>, vector<16xi32> -> vector<16xf32>
        %add3A_392 = arith.addf %add3A_388, %gather3A_391 : vector<16xf32>
        %broadcast_in_dim3A_393 = vector.shape_cast %or3A_59 : vector<16xi32> to vector<16x1xi32>
        %gather3A_394 = vector.shape_cast %broadcast_in_dim3A_393 : vector<16x1xi32> to vector<16xi32>
        %gather3A_395 = tpu.dynamic_gather %add3A_392[%gather3A_394] in [0] : vector<16xf32>, vector<16xi32> -> vector<16xf32>
        %add3A_396 = arith.addf %add3A_392, %gather3A_395 : vector<16xf32>
        %broadcast_in_dim3A_397 = vector.shape_cast %broadcast_in_dim3A_62 : vector<16xi32> to vector<16x1xi32>
        %gather3A_398 = vector.shape_cast %broadcast_in_dim3A_397 : vector<16x1xi32> to vector<16xi32>
        %gather3A_399 = tpu.dynamic_gather %add3A_396[%gather3A_398] in [0] : vector<16xf32>, vector<16xi32> -> vector<16xf32>
        %mul3A_400 = arith.constant 1.562500e-02 : f32
        %mul3A_401 = vector.broadcast %mul3A_400 : f32 to vector<16xf32>
        %mul3A_402 = arith.mulf %gather3A_399, %mul3A_401 : vector<16xf32>
        %broadcast_in_dim3A_403 = vector.shape_cast %broadcast_in_dim3A_64 : vector<16xi32> to vector<16x1xi32>
        %gather3A_404 = vector.shape_cast %broadcast_in_dim3A_403 : vector<16x1xi32> to vector<16xi32>
        %gather3A_405 = tpu.dynamic_gather %add3A_396[%gather3A_404] in [0] : vector<16xf32>, vector<16xi32> -> vector<16xf32>
        %mul3A_406 = arith.constant 1.562500e-02 : f32
        %mul3A_407 = vector.broadcast %mul3A_406 : f32 to vector<16xf32>
        %mul3A_408 = arith.mulf %gather3A_405, %mul3A_407 : vector<16xf32>
        %add3A_409 = arith.constant 9.99999974E-6 : f32
        %add3A_410 = vector.broadcast %add3A_409 : f32 to vector<16xf32>
        %add3A_411 = arith.addf %mul3A_408, %add3A_410 : vector<16xf32>
        %mul3A_412 = arith.mulf %mul3A_402, %mul3A_402 : vector<16xf32>
        %sub3A_413 = arith.subf %add3A_411, %mul3A_412 : vector<16xf32>
        %bitcast_convert_type3A_414 = tpu.bitcast %sub3A_413 : vector<16xf32> -> vector<16xi32>
        %shift_right_arithmetic3A_415 = arith.constant 1 : i32
        %shift_right_arithmetic3A_416 = vector.broadcast %shift_right_arithmetic3A_415 : i32 to vector<16xi32>
        %shift_right_arithmetic3A_417 = arith.shrsi %bitcast_convert_type3A_414, %shift_right_arithmetic3A_416 : vector<16xi32>
        %sub3A_418 = arith.constant 1597463007 : i32
        %sub3A_419 = vector.broadcast %sub3A_418 : i32 to vector<16xi32>
        %sub3A_420 = arith.subi %sub3A_419, %shift_right_arithmetic3A_417 : vector<16xi32>
        %bitcast_convert_type3A_421 = tpu.bitcast %sub3A_420 : vector<16xi32> -> vector<16xf32>
        %mul3A_422 = arith.constant 5.000000e-01 : f32
        %mul3A_423 = vector.broadcast %mul3A_422 : f32 to vector<16xf32>
        %mul3A_424 = arith.mulf %mul3A_423, %sub3A_413 : vector<16xf32>
        %mul3A_425 = arith.mulf %bitcast_convert_type3A_421, %bitcast_convert_type3A_421 : vector<16xf32>
        %mul3A_426 = arith.mulf %mul3A_424, %mul3A_425 : vector<16xf32>
        %sub3A_427 = arith.constant 1.500000e+00 : f32
        %sub3A_428 = vector.broadcast %sub3A_427 : f32 to vector<16xf32>
        %sub3A_429 = arith.subf %sub3A_428, %mul3A_426 : vector<16xf32>
        %mul3A_430 = arith.mulf %bitcast_convert_type3A_421, %sub3A_429 : vector<16xf32>
        %mul3A_431 = arith.mulf %get3A_347, %mul3A_430 : vector<16xf32>
        %add3A_432 = arith.addf %add3A_331, %mul3A_431 : vector<16xf32>
        %mul3A_433 = arith.mulf %get3A_353, %mul3A_430 : vector<16xf32>
        %add3A_434 = arith.addf %add3A_333, %mul3A_433 : vector<16xf32>
        %mul3A_435 = arith.mulf %get3A_359, %mul3A_430 : vector<16xf32>
        %add3A_436 = arith.addf %add3A_335, %mul3A_435 : vector<16xf32>
        %mul3A_437 = arith.mulf %get3A_365, %mul3A_430 : vector<16xf32>
        %add3A_438 = arith.addf %add3A_337, %mul3A_437 : vector<16xf32>
        %mul3A_439 = arith.mulf %mul3A_402, %mul3A_430 : vector<16xf32>
        %add3A_440 = arith.addf %add3A_339, %mul3A_439 : vector<16xf32>
        %scan3A_441 = arith.constant 2 : i32
        %scan3A_442 = arith.addi %scan3A_239, %scan3A_441 : i32
        %get3A_443 = arith.constant 0 : i32
        %get3A_444 = arith.index_cast %get3A_443 : i32 to index
        %get3A_445 = arith.index_cast %scan3A_442 : i32 to index
        %get3A_446 = arith.constant 0 : index
        %get3A_447 = tpu.vector_load %arg7[%get3A_444, %get3A_445, %get3A_446] {strides = array<i32>} : memref<2x200x64xf32, #tpu.memory_space<vmem>>, vector<1x1x16xf32>,
        %get3A_448 = vector.shape_cast %get3A_447 : vector<1x1x16xf32> to vector<16xf32>
        %get3A_449 = arith.constant 0 : i32
        %get3A_450 = arith.index_cast %get3A_449 : i32 to index
        %get3A_451 = arith.index_cast %scan3A_442 : i32 to index
        %get3A_452 = arith.constant 16 : index
        %get3A_453 = tpu.vector_load %arg7[%get3A_450, %get3A_451, %get3A_452] {strides = array<i32>} : memref<2x200x64xf32, #tpu.memory_space<vmem>>, vector<1x1x16xf32>,
        %get3A_454 = vector.shape_cast %get3A_453 : vector<1x1x16xf32> to vector<16xf32>
        %get3A_455 = arith.constant 0 : i32
        %get3A_456 = arith.index_cast %get3A_455 : i32 to index
        %get3A_457 = arith.index_cast %scan3A_442 : i32 to index
        %get3A_458 = arith.constant 32 : index
        %get3A_459 = tpu.vector_load %arg7[%get3A_456, %get3A_457, %get3A_458] {strides = array<i32>} : memref<2x200x64xf32, #tpu.memory_space<vmem>>, vector<1x1x16xf32>,
        %get3A_460 = vector.shape_cast %get3A_459 : vector<1x1x16xf32> to vector<16xf32>
        %get3A_461 = arith.constant 0 : i32
        %get3A_462 = arith.index_cast %get3A_461 : i32 to index
        %get3A_463 = arith.index_cast %scan3A_442 : i32 to index
        %get3A_464 = arith.constant 48 : index
        %get3A_465 = tpu.vector_load %arg7[%get3A_462, %get3A_463, %get3A_464] {strides = array<i32>} : memref<2x200x64xf32, #tpu.memory_space<vmem>>, vector<1x1x16xf32>,
        %get3A_466 = vector.shape_cast %get3A_465 : vector<1x1x16xf32> to vector<16xf32>
        %add3A_467 = arith.addf %get3A_448, %get3A_454 : vector<16xf32>
        %add3A_468 = arith.addf %get3A_460, %get3A_466 : vector<16xf32>
        %add3A_469 = arith.addf %add3A_467, %add3A_468 : vector<16xf32>
        %mul3A_470 = arith.mulf %get3A_448, %get3A_448 : vector<16xf32>
        %mul3A_471 = arith.mulf %get3A_454, %get3A_454 : vector<16xf32>
        %add3A_472 = arith.addf %mul3A_470, %mul3A_471 : vector<16xf32>
        %mul3A_473 = arith.mulf %get3A_460, %get3A_460 : vector<16xf32>
        %mul3A_474 = arith.mulf %get3A_466, %get3A_466 : vector<16xf32>
        %add3A_475 = arith.addf %mul3A_473, %mul3A_474 : vector<16xf32>
        %add3A_476 = arith.addf %add3A_472, %add3A_475 : vector<16xf32>
        %broadcast_in_dim3A_477 = vector.shape_cast %and3A_30 : vector<16xi32> to vector<16x1xi32>
        %gather3A_478 = vector.shape_cast %broadcast_in_dim3A_477 : vector<16x1xi32> to vector<16xi32>
        %gather3A_479 = tpu.dynamic_gather %add3A_469[%gather3A_478] in [0] : vector<16xf32>, vector<16xi32> -> vector<16xf32>
        %add3A_480 = arith.addf %add3A_469, %gather3A_479 : vector<16xf32>
        %broadcast_in_dim3A_481 = vector.shape_cast %and3A_30 : vector<16xi32> to vector<16x1xi32>
        %gather3A_482 = vector.shape_cast %broadcast_in_dim3A_481 : vector<16x1xi32> to vector<16xi32>
        %gather3A_483 = tpu.dynamic_gather %add3A_476[%gather3A_482] in [0] : vector<16xf32>, vector<16xi32> -> vector<16xf32>
        %add3A_484 = arith.addf %add3A_476, %gather3A_483 : vector<16xf32>
        %select_n3A_485 = arith.select %lt3A_61, %add3A_480, %add3A_484 : vector<16xi1>, vector<16xf32>
        %broadcast_in_dim3A_486 = vector.shape_cast %or3A : vector<16xi32> to vector<16x1xi32>
        %gather3A_487 = vector.shape_cast %broadcast_in_dim3A_486 : vector<16x1xi32> to vector<16xi32>
        %gather3A_488 = tpu.dynamic_gather %select_n3A_485[%gather3A_487] in [0] : vector<16xf32>, vector<16xi32> -> vector<16xf32>
        %add3A_489 = arith.addf %select_n3A_485, %gather3A_488 : vector<16xf32>
        %broadcast_in_dim3A_490 = vector.shape_cast %or3A_49 : vector<16xi32> to vector<16x1xi32>
        %gather3A_491 = vector.shape_cast %broadcast_in_dim3A_490 : vector<16x1xi32> to vector<16xi32>
        %gather3A_492 = tpu.dynamic_gather %add3A_489[%gather3A_491] in [0] : vector<16xf32>, vector<16xi32> -> vector<16xf32>
        %add3A_493 = arith.addf %add3A_489, %gather3A_492 : vector<16xf32>
        %broadcast_in_dim3A_494 = vector.shape_cast %or3A_59 : vector<16xi32> to vector<16x1xi32>
        %gather3A_495 = vector.shape_cast %broadcast_in_dim3A_494 : vector<16x1xi32> to vector<16xi32>
        %gather3A_496 = tpu.dynamic_gather %add3A_493[%gather3A_495] in [0] : vector<16xf32>, vector<16xi32> -> vector<16xf32>
        %add3A_497 = arith.addf %add3A_493, %gather3A_496 : vector<16xf32>
        %broadcast_in_dim3A_498 = vector.shape_cast %broadcast_in_dim3A_62 : vector<16xi32> to vector<16x1xi32>
        %gather3A_499 = vector.shape_cast %broadcast_in_dim3A_498 : vector<16x1xi32> to vector<16xi32>
        %gather3A_500 = tpu.dynamic_gather %add3A_497[%gather3A_499] in [0] : vector<16xf32>, vector<16xi32> -> vector<16xf32>
        %mul3A_501 = arith.constant 1.562500e-02 : f32
        %mul3A_502 = vector.broadcast %mul3A_501 : f32 to vector<16xf32>
        %mul3A_503 = arith.mulf %gather3A_500, %mul3A_502 : vector<16xf32>
        %broadcast_in_dim3A_504 = vector.shape_cast %broadcast_in_dim3A_64 : vector<16xi32> to vector<16x1xi32>
        %gather3A_505 = vector.shape_cast %broadcast_in_dim3A_504 : vector<16x1xi32> to vector<16xi32>
        %gather3A_506 = tpu.dynamic_gather %add3A_497[%gather3A_505] in [0] : vector<16xf32>, vector<16xi32> -> vector<16xf32>
        %mul3A_507 = arith.constant 1.562500e-02 : f32
        %mul3A_508 = vector.broadcast %mul3A_507 : f32 to vector<16xf32>
        %mul3A_509 = arith.mulf %gather3A_506, %mul3A_508 : vector<16xf32>
        %add3A_510 = arith.constant 9.99999974E-6 : f32
        %add3A_511 = vector.broadcast %add3A_510 : f32 to vector<16xf32>
        %add3A_512 = arith.addf %mul3A_509, %add3A_511 : vector<16xf32>
        %mul3A_513 = arith.mulf %mul3A_503, %mul3A_503 : vector<16xf32>
        %sub3A_514 = arith.subf %add3A_512, %mul3A_513 : vector<16xf32>
        %bitcast_convert_type3A_515 = tpu.bitcast %sub3A_514 : vector<16xf32> -> vector<16xi32>
        %shift_right_arithmetic3A_516 = arith.constant 1 : i32
        %shift_right_arithmetic3A_517 = vector.broadcast %shift_right_arithmetic3A_516 : i32 to vector<16xi32>
        %shift_right_arithmetic3A_518 = arith.shrsi %bitcast_convert_type3A_515, %shift_right_arithmetic3A_517 : vector<16xi32>
        %sub3A_519 = arith.constant 1597463007 : i32
        %sub3A_520 = vector.broadcast %sub3A_519 : i32 to vector<16xi32>
        %sub3A_521 = arith.subi %sub3A_520, %shift_right_arithmetic3A_518 : vector<16xi32>
        %bitcast_convert_type3A_522 = tpu.bitcast %sub3A_521 : vector<16xi32> -> vector<16xf32>
        %mul3A_523 = arith.constant 5.000000e-01 : f32
        %mul3A_524 = vector.broadcast %mul3A_523 : f32 to vector<16xf32>
        %mul3A_525 = arith.mulf %mul3A_524, %sub3A_514 : vector<16xf32>
        %mul3A_526 = arith.mulf %bitcast_convert_type3A_522, %bitcast_convert_type3A_522 : vector<16xf32>
        %mul3A_527 = arith.mulf %mul3A_525, %mul3A_526 : vector<16xf32>
        %sub3A_528 = arith.constant 1.500000e+00 : f32
        %sub3A_529 = vector.broadcast %sub3A_528 : f32 to vector<16xf32>
        %sub3A_530 = arith.subf %sub3A_529, %mul3A_527 : vector<16xf32>
        %mul3A_531 = arith.mulf %bitcast_convert_type3A_522, %sub3A_530 : vector<16xf32>
        %mul3A_532 = arith.mulf %get3A_448, %mul3A_531 : vector<16xf32>
        %add3A_533 = arith.addf %add3A_432, %mul3A_532 : vector<16xf32>
        %mul3A_534 = arith.mulf %get3A_454, %mul3A_531 : vector<16xf32>
        %add3A_535 = arith.addf %add3A_434, %mul3A_534 : vector<16xf32>
        %mul3A_536 = arith.mulf %get3A_460, %mul3A_531 : vector<16xf32>
        %add3A_537 = arith.addf %add3A_436, %mul3A_536 : vector<16xf32>
        %mul3A_538 = arith.mulf %get3A_466, %mul3A_531 : vector<16xf32>
        %add3A_539 = arith.addf %add3A_438, %mul3A_538 : vector<16xf32>
        %mul3A_540 = arith.mulf %mul3A_503, %mul3A_531 : vector<16xf32>
        %add3A_541 = arith.addf %add3A_440, %mul3A_540 : vector<16xf32>
        %scan3A_542 = arith.constant 3 : i32
        %scan3A_543 = arith.addi %scan3A_239, %scan3A_542 : i32
        %get3A_544 = arith.constant 0 : i32
        %get3A_545 = arith.index_cast %get3A_544 : i32 to index
        %get3A_546 = arith.index_cast %scan3A_543 : i32 to index
        %get3A_547 = arith.constant 0 : index
        %get3A_548 = tpu.vector_load %arg7[%get3A_545, %get3A_546, %get3A_547] {strides = array<i32>} : memref<2x200x64xf32, #tpu.memory_space<vmem>>, vector<1x1x16xf32>,
        %get3A_549 = vector.shape_cast %get3A_548 : vector<1x1x16xf32> to vector<16xf32>
        %get3A_550 = arith.constant 0 : i32
        %get3A_551 = arith.index_cast %get3A_550 : i32 to index
        %get3A_552 = arith.index_cast %scan3A_543 : i32 to index
        %get3A_553 = arith.constant 16 : index
        %get3A_554 = tpu.vector_load %arg7[%get3A_551, %get3A_552, %get3A_553] {strides = array<i32>} : memref<2x200x64xf32, #tpu.memory_space<vmem>>, vector<1x1x16xf32>,
        %get3A_555 = vector.shape_cast %get3A_554 : vector<1x1x16xf32> to vector<16xf32>
        %get3A_556 = arith.constant 0 : i32
        %get3A_557 = arith.index_cast %get3A_556 : i32 to index
        %get3A_558 = arith.index_cast %scan3A_543 : i32 to index
        %get3A_559 = arith.constant 32 : index
        %get3A_560 = tpu.vector_load %arg7[%get3A_557, %get3A_558, %get3A_559] {strides = array<i32>} : memref<2x200x64xf32, #tpu.memory_space<vmem>>, vector<1x1x16xf32>,
        %get3A_561 = vector.shape_cast %get3A_560 : vector<1x1x16xf32> to vector<16xf32>
        %get3A_562 = arith.constant 0 : i32
        %get3A_563 = arith.index_cast %get3A_562 : i32 to index
        %get3A_564 = arith.index_cast %scan3A_543 : i32 to index
        %get3A_565 = arith.constant 48 : index
        %get3A_566 = tpu.vector_load %arg7[%get3A_563, %get3A_564, %get3A_565] {strides = array<i32>} : memref<2x200x64xf32, #tpu.memory_space<vmem>>, vector<1x1x16xf32>,
        %get3A_567 = vector.shape_cast %get3A_566 : vector<1x1x16xf32> to vector<16xf32>
        %add3A_568 = arith.addf %get3A_549, %get3A_555 : vector<16xf32>
        %add3A_569 = arith.addf %get3A_561, %get3A_567 : vector<16xf32>
        %add3A_570 = arith.addf %add3A_568, %add3A_569 : vector<16xf32>
        %mul3A_571 = arith.mulf %get3A_549, %get3A_549 : vector<16xf32>
        %mul3A_572 = arith.mulf %get3A_555, %get3A_555 : vector<16xf32>
        %add3A_573 = arith.addf %mul3A_571, %mul3A_572 : vector<16xf32>
        %mul3A_574 = arith.mulf %get3A_561, %get3A_561 : vector<16xf32>
        %mul3A_575 = arith.mulf %get3A_567, %get3A_567 : vector<16xf32>
        %add3A_576 = arith.addf %mul3A_574, %mul3A_575 : vector<16xf32>
        %add3A_577 = arith.addf %add3A_573, %add3A_576 : vector<16xf32>
        %broadcast_in_dim3A_578 = vector.shape_cast %and3A_30 : vector<16xi32> to vector<16x1xi32>
        %gather3A_579 = vector.shape_cast %broadcast_in_dim3A_578 : vector<16x1xi32> to vector<16xi32>
        %gather3A_580 = tpu.dynamic_gather %add3A_570[%gather3A_579] in [0] : vector<16xf32>, vector<16xi32> -> vector<16xf32>
        %add3A_581 = arith.addf %add3A_570, %gather3A_580 : vector<16xf32>
        %broadcast_in_dim3A_582 = vector.shape_cast %and3A_30 : vector<16xi32> to vector<16x1xi32>
        %gather3A_583 = vector.shape_cast %broadcast_in_dim3A_582 : vector<16x1xi32> to vector<16xi32>
        %gather3A_584 = tpu.dynamic_gather %add3A_577[%gather3A_583] in [0] : vector<16xf32>, vector<16xi32> -> vector<16xf32>
        %add3A_585 = arith.addf %add3A_577, %gather3A_584 : vector<16xf32>
        %select_n3A_586 = arith.select %lt3A_61, %add3A_581, %add3A_585 : vector<16xi1>, vector<16xf32>
        %broadcast_in_dim3A_587 = vector.shape_cast %or3A : vector<16xi32> to vector<16x1xi32>
        %gather3A_588 = vector.shape_cast %broadcast_in_dim3A_587 : vector<16x1xi32> to vector<16xi32>
        %gather3A_589 = tpu.dynamic_gather %select_n3A_586[%gather3A_588] in [0] : vector<16xf32>, vector<16xi32> -> vector<16xf32>
        %add3A_590 = arith.addf %select_n3A_586, %gather3A_589 : vector<16xf32>
        %broadcast_in_dim3A_591 = vector.shape_cast %or3A_49 : vector<16xi32> to vector<16x1xi32>
        %gather3A_592 = vector.shape_cast %broadcast_in_dim3A_591 : vector<16x1xi32> to vector<16xi32>
        %gather3A_593 = tpu.dynamic_gather %add3A_590[%gather3A_592] in [0] : vector<16xf32>, vector<16xi32> -> vector<16xf32>
        %add3A_594 = arith.addf %add3A_590, %gather3A_593 : vector<16xf32>
        %broadcast_in_dim3A_595 = vector.shape_cast %or3A_59 : vector<16xi32> to vector<16x1xi32>
        %gather3A_596 = vector.shape_cast %broadcast_in_dim3A_595 : vector<16x1xi32> to vector<16xi32>
        %gather3A_597 = tpu.dynamic_gather %add3A_594[%gather3A_596] in [0] : vector<16xf32>, vector<16xi32> -> vector<16xf32>
        %add3A_598 = arith.addf %add3A_594, %gather3A_597 : vector<16xf32>
        %broadcast_in_dim3A_599 = vector.shape_cast %broadcast_in_dim3A_62 : vector<16xi32> to vector<16x1xi32>
        %gather3A_600 = vector.shape_cast %broadcast_in_dim3A_599 : vector<16x1xi32> to vector<16xi32>
        %gather3A_601 = tpu.dynamic_gather %add3A_598[%gather3A_600] in [0] : vector<16xf32>, vector<16xi32> -> vector<16xf32>
        %mul3A_602 = arith.constant 1.562500e-02 : f32
        %mul3A_603 = vector.broadcast %mul3A_602 : f32 to vector<16xf32>
        %mul3A_604 = arith.mulf %gather3A_601, %mul3A_603 : vector<16xf32>
        %broadcast_in_dim3A_605 = vector.shape_cast %broadcast_in_dim3A_64 : vector<16xi32> to vector<16x1xi32>
        %gather3A_606 = vector.shape_cast %broadcast_in_dim3A_605 : vector<16x1xi32> to vector<16xi32>
        %gather3A_607 = tpu.dynamic_gather %add3A_598[%gather3A_606] in [0] : vector<16xf32>, vector<16xi32> -> vector<16xf32>
        %mul3A_608 = arith.constant 1.562500e-02 : f32
        %mul3A_609 = vector.broadcast %mul3A_608 : f32 to vector<16xf32>
        %mul3A_610 = arith.mulf %gather3A_607, %mul3A_609 : vector<16xf32>
        %add3A_611 = arith.constant 9.99999974E-6 : f32
        %add3A_612 = vector.broadcast %add3A_611 : f32 to vector<16xf32>
        %add3A_613 = arith.addf %mul3A_610, %add3A_612 : vector<16xf32>
        %mul3A_614 = arith.mulf %mul3A_604, %mul3A_604 : vector<16xf32>
        %sub3A_615 = arith.subf %add3A_613, %mul3A_614 : vector<16xf32>
        %bitcast_convert_type3A_616 = tpu.bitcast %sub3A_615 : vector<16xf32> -> vector<16xi32>
        %shift_right_arithmetic3A_617 = arith.constant 1 : i32
        %shift_right_arithmetic3A_618 = vector.broadcast %shift_right_arithmetic3A_617 : i32 to vector<16xi32>
        %shift_right_arithmetic3A_619 = arith.shrsi %bitcast_convert_type3A_616, %shift_right_arithmetic3A_618 : vector<16xi32>
        %sub3A_620 = arith.constant 1597463007 : i32
        %sub3A_621 = vector.broadcast %sub3A_620 : i32 to vector<16xi32>
        %sub3A_622 = arith.subi %sub3A_621, %shift_right_arithmetic3A_619 : vector<16xi32>
        %bitcast_convert_type3A_623 = tpu.bitcast %sub3A_622 : vector<16xi32> -> vector<16xf32>
        %mul3A_624 = arith.constant 5.000000e-01 : f32
        %mul3A_625 = vector.broadcast %mul3A_624 : f32 to vector<16xf32>
        %mul3A_626 = arith.mulf %mul3A_625, %sub3A_615 : vector<16xf32>
        %mul3A_627 = arith.mulf %bitcast_convert_type3A_623, %bitcast_convert_type3A_623 : vector<16xf32>
        %mul3A_628 = arith.mulf %mul3A_626, %mul3A_627 : vector<16xf32>
        %sub3A_629 = arith.constant 1.500000e+00 : f32
        %sub3A_630 = vector.broadcast %sub3A_629 : f32 to vector<16xf32>
        %sub3A_631 = arith.subf %sub3A_630, %mul3A_628 : vector<16xf32>
        %mul3A_632 = arith.mulf %bitcast_convert_type3A_623, %sub3A_631 : vector<16xf32>
        %mul3A_633 = arith.mulf %get3A_549, %mul3A_632 : vector<16xf32>
        %add3A_634 = arith.addf %add3A_533, %mul3A_633 : vector<16xf32>
        %mul3A_635 = arith.mulf %get3A_555, %mul3A_632 : vector<16xf32>
        %add3A_636 = arith.addf %add3A_535, %mul3A_635 : vector<16xf32>
        %mul3A_637 = arith.mulf %get3A_561, %mul3A_632 : vector<16xf32>
        %add3A_638 = arith.addf %add3A_537, %mul3A_637 : vector<16xf32>
        %mul3A_639 = arith.mulf %get3A_567, %mul3A_632 : vector<16xf32>
        %add3A_640 = arith.addf %add3A_539, %mul3A_639 : vector<16xf32>
        %mul3A_641 = arith.mulf %mul3A_604, %mul3A_632 : vector<16xf32>
        %add3A_642 = arith.addf %add3A_541, %mul3A_641 : vector<16xf32>
        scf.yield %add3A_634, %add3A_636, %add3A_638, %add3A_640, %add3A_642 : vector<16xf32>, vector<16xf32>, vector<16xf32>, vector<16xf32>, vector<16xf32>
      }
      %scan3A_135 = arith.constant 200 : i32
      %sub3A = arith.subf %scan3A_134#0, %scan3A_134#4 : vector<16xf32>
      %mul3A_136 = arith.mulf %sub3A, %get3A_4 : vector<16xf32>
      %add3A_137 = arith.addf %mul3A_136, %get3A_16 : vector<16xf32>
      %swap3A = arith.index_cast %add3A_101 : i32 to index
      %swap3A_138 = arith.constant 0 : index
      %swap3A_139 = tpu.vector_load %arg8[%swap3A, %swap3A_138] {strides = array<i32>} : memref<128x64xf32, #tpu.memory_space<vmem>>, vector<1x16xf32>,
      %swap3A_140 = vector.shape_cast %swap3A_139 : vector<1x16xf32> to vector<16xf32>
      %swap3A_141 = vector.shape_cast %add3A_137 : vector<16xf32> to vector<1x16xf32>
      tpu.vector_store %arg8[%swap3A, %swap3A_138], %swap3A_141 {strides = array<i32>} : memref<128x64xf32, #tpu.memory_space<vmem>>, vector<1x16xf32>,
      %sub3A_142 = arith.subf %scan3A_134#1, %scan3A_134#4 : vector<16xf32>
      %mul3A_143 = arith.mulf %sub3A_142, %get3A_7 : vector<16xf32>
      %add3A_144 = arith.addf %mul3A_143, %get3A_19 : vector<16xf32>
      %swap3A_145 = arith.index_cast %add3A_101 : i32 to index
      %swap3A_146 = arith.constant 16 : index
      %swap3A_147 = tpu.vector_load %arg8[%swap3A_145, %swap3A_146] {strides = array<i32>} : memref<128x64xf32, #tpu.memory_space<vmem>>, vector<1x16xf32>,
      %swap3A_148 = vector.shape_cast %swap3A_147 : vector<1x16xf32> to vector<16xf32>
      %swap3A_149 = vector.shape_cast %add3A_144 : vector<16xf32> to vector<1x16xf32>
      tpu.vector_store %arg8[%swap3A_145, %swap3A_146], %swap3A_149 {strides = array<i32>} : memref<128x64xf32, #tpu.memory_space<vmem>>, vector<1x16xf32>,
      %sub3A_150 = arith.subf %scan3A_134#2, %scan3A_134#4 : vector<16xf32>
      %mul3A_151 = arith.mulf %sub3A_150, %get3A_10 : vector<16xf32>
      %add3A_152 = arith.addf %mul3A_151, %get3A_22 : vector<16xf32>
      %swap3A_153 = arith.index_cast %add3A_101 : i32 to index
      %swap3A_154 = arith.constant 32 : index
      %swap3A_155 = tpu.vector_load %arg8[%swap3A_153, %swap3A_154] {strides = array<i32>} : memref<128x64xf32, #tpu.memory_space<vmem>>, vector<1x16xf32>,
      %swap3A_156 = vector.shape_cast %swap3A_155 : vector<1x16xf32> to vector<16xf32>
      %swap3A_157 = vector.shape_cast %add3A_152 : vector<16xf32> to vector<1x16xf32>
      tpu.vector_store %arg8[%swap3A_153, %swap3A_154], %swap3A_157 {strides = array<i32>} : memref<128x64xf32, #tpu.memory_space<vmem>>, vector<1x16xf32>,
      %sub3A_158 = arith.subf %scan3A_134#3, %scan3A_134#4 : vector<16xf32>
      %mul3A_159 = arith.mulf %sub3A_158, %get3A_13 : vector<16xf32>
      %add3A_160 = arith.addf %mul3A_159, %get3A_25 : vector<16xf32>
      %swap3A_161 = arith.index_cast %add3A_101 : i32 to index
      %swap3A_162 = arith.constant 48 : index
      %swap3A_163 = tpu.vector_load %arg8[%swap3A_161, %swap3A_162] {strides = array<i32>} : memref<128x64xf32, #tpu.memory_space<vmem>>, vector<1x16xf32>,
      %swap3A_164 = vector.shape_cast %swap3A_163 : vector<1x16xf32> to vector<16xf32>
      %swap3A_165 = vector.shape_cast %add3A_160 : vector<16xf32> to vector<1x16xf32>
      tpu.vector_store %arg8[%swap3A_161, %swap3A_162], %swap3A_165 {strides = array<i32>} : memref<128x64xf32, #tpu.memory_space<vmem>>, vector<1x16xf32>,
      %mul3A_166 = arith.constant 2 : i32
      %mul3A_167 = arith.muli %scan3A_97, %mul3A_166 : i32
      %add3A_168 = arith.constant 1 : i32
      %add3A_169 = arith.addi %mul3A_167, %add3A_168 : i32
      %dma_wait3A_170 = arith.constant 0 : i32
      %dma_wait3A_171 = arith.constant 1 : i32
      %dma_wait3A_172 = arith.constant 0 : i32
      %dma_wait3A_173 = arith.constant 0 : i32
      %dma_wait3A_174 = tpu.memref_slice %arg7[%dma_wait3A_171, %dma_wait3A_172, %dma_wait3A_173] : memref<2x200x64xf32, #tpu.memory_space<vmem>> -> memref<1x128x64xf32, #tpu.memory_space<vmem>>
      %dma_wait3A_175 = tpu.memref_squeeze %dma_wait3A_174 : memref<1x128x64xf32, #tpu.memory_space<vmem>> -> memref<128x64xf32, #tpu.memory_space<vmem>>
      %dma_wait3A_176 = arith.constant 0 : i32
      %dma_wait3A_177 = tpu.memref_slice %arg6[%dma_wait3A_170, %dma_wait3A_176] : memref<128x200xi32, #tpu.memory_space<vmem>> -> memref<1x128xi32, #tpu.memory_space<vmem>>
      %dma_wait3A_178 = tpu.memref_squeeze %dma_wait3A_177 : memref<1x128xi32, #tpu.memory_space<vmem>> -> memref<128xi32, #tpu.memory_space<vmem>>
      %dma_wait3A_179 = arith.constant 0 : i32
      %dma_wait3A_180 = arith.constant 0 : i32
      %dma_wait3A_181 = tpu.memref_slice %arg3[%dma_wait3A_179, %dma_wait3A_180] : memref<1000000x64xf32, #tpu.memory_space<hbm>> -> memref<1000000x64xf32, #tpu.memory_space<hbm>>
      tpu.wait_indirect_dma semaphore(%arg10 : memref<!tpu.dma_semaphore, #tpu.memory_space<semaphore_mem>>) src(%dma_wait3A_181 : memref<1000000x64xf32, #tpu.memory_space<hbm>>) dst(%dma_wait3A_175 : memref<128x64xf32, #tpu.memory_space<vmem>>)
      %dma_wait3A_182 = arith.constant 0 : i32
      %dma_wait3A_183 = arith.constant 1 : i32
      %dma_wait3A_184 = arith.constant 128 : i32
      %dma_wait3A_185 = arith.constant 0 : i32
      %dma_wait3A_186 = tpu.memref_slice %arg7[%dma_wait3A_183, %dma_wait3A_184, %dma_wait3A_185] : memref<2x200x64xf32, #tpu.memory_space<vmem>> -> memref<1x72x64xf32, #tpu.memory_space<vmem>>
      %dma_wait3A_187 = tpu.memref_squeeze %dma_wait3A_186 : memref<1x72x64xf32, #tpu.memory_space<vmem>> -> memref<72x64xf32, #tpu.memory_space<vmem>>
      %dma_wait3A_188 = arith.constant 128 : i32
      %dma_wait3A_189 = tpu.memref_slice %arg6[%dma_wait3A_182, %dma_wait3A_188] : memref<128x200xi32, #tpu.memory_space<vmem>> -> memref<1x72xi32, #tpu.memory_space<vmem>>
      %dma_wait3A_190 = tpu.memref_squeeze %dma_wait3A_189 : memref<1x72xi32, #tpu.memory_space<vmem>> -> memref<72xi32, #tpu.memory_space<vmem>>
      %dma_wait3A_191 = arith.constant 0 : i32
      %dma_wait3A_192 = arith.constant 0 : i32
      %dma_wait3A_193 = tpu.memref_slice %arg3[%dma_wait3A_191, %dma_wait3A_192] : memref<1000000x64xf32, #tpu.memory_space<hbm>> -> memref<1000000x64xf32, #tpu.memory_space<hbm>>
      tpu.wait_indirect_dma semaphore(%arg10 : memref<!tpu.dma_semaphore, #tpu.memory_space<semaphore_mem>>) src(%dma_wait3A_193 : memref<1000000x64xf32, #tpu.memory_space<hbm>>) dst(%dma_wait3A_187 : memref<72x64xf32, #tpu.memory_space<vmem>>)
      %add3A_194 = arith.constant 1 : i32
      %add3A_195 = arith.addi %add3A_169, %add3A_194 : i32
      %lt3A_196 = arith.constant 128 : i32
      %lt3A_197 = arith.cmpi slt, %add3A_195, %lt3A_196 : i32
      %convert_element_type3A_198 = arith.extui %lt3A_197 : i1 to i32
      %cond3A_199 = arith.constant 0 : i32
      %cond3A_200 = arith.cmpi ne, %convert_element_type3A_198, %cond3A_199 : i32
      scf.if %cond3A_200 {
        %add3A_239 = arith.constant 1 : i32
        %add3A_240 = arith.addi %add3A_169, %add3A_239 : i32
        %dma_start3A_241 = arith.constant 0 : i32
        %dma_start3A_242 = arith.constant 0 : i32
        %dma_start3A_243 = arith.constant 0 : i32
        %dma_start3A_244 = tpu.memref_slice %arg7[%dma_start3A_241, %dma_start3A_242, %dma_start3A_243] : memref<2x200x64xf32, #tpu.memory_space<vmem>> -> memref<1x128x64xf32, #tpu.memory_space<vmem>>
        %dma_start3A_245 = tpu.memref_squeeze %dma_start3A_244 : memref<1x128x64xf32, #tpu.memory_space<vmem>> -> memref<128x64xf32, #tpu.memory_space<vmem>>
        %dma_start3A_246 = arith.constant 0 : i32
        %dma_start3A_247 = tpu.memref_slice %arg6[%add3A_240, %dma_start3A_246] : memref<128x200xi32, #tpu.memory_space<vmem>> -> memref<1x128xi32, #tpu.memory_space<vmem>>
        %dma_start3A_248 = tpu.memref_squeeze %dma_start3A_247 : memref<1x128xi32, #tpu.memory_space<vmem>> -> memref<128xi32, #tpu.memory_space<vmem>>
        %dma_start3A_249 = arith.constant 0 : i32
        %dma_start3A_250 = arith.constant 0 : i32
        %dma_start3A_251 = tpu.memref_slice %arg3[%dma_start3A_249, %dma_start3A_250] : memref<1000000x64xf32, #tpu.memory_space<hbm>> -> memref<1000000x64xf32, #tpu.memory_space<hbm>>
        tpu.enqueue_indirect_dma source(%dma_start3A_251 : memref<1000000x64xf32, #tpu.memory_space<hbm>>) target(%dma_start3A_245 : memref<128x64xf32, #tpu.memory_space<vmem>>) offsets(%dma_start3A_248 : memref<128xi32, #tpu.memory_space<vmem>>) semaphore(%arg10 : memref<!tpu.dma_semaphore, #tpu.memory_space<semaphore_mem>>)
        %dma_start3A_252 = arith.constant 0 : i32
        %dma_start3A_253 = arith.constant 128 : i32
        %dma_start3A_254 = arith.constant 0 : i32
        %dma_start3A_255 = tpu.memref_slice %arg7[%dma_start3A_252, %dma_start3A_253, %dma_start3A_254] : memref<2x200x64xf32, #tpu.memory_space<vmem>> -> memref<1x72x64xf32, #tpu.memory_space<vmem>>
        %dma_start3A_256 = tpu.memref_squeeze %dma_start3A_255 : memref<1x72x64xf32, #tpu.memory_space<vmem>> -> memref<72x64xf32, #tpu.memory_space<vmem>>
        %dma_start3A_257 = arith.constant 128 : i32
        %dma_start3A_258 = tpu.memref_slice %arg6[%add3A_240, %dma_start3A_257] : memref<128x200xi32, #tpu.memory_space<vmem>> -> memref<1x72xi32, #tpu.memory_space<vmem>>
        %dma_start3A_259 = tpu.memref_squeeze %dma_start3A_258 : memref<1x72xi32, #tpu.memory_space<vmem>> -> memref<72xi32, #tpu.memory_space<vmem>>
        %dma_start3A_260 = arith.constant 0 : i32
        %dma_start3A_261 = arith.constant 0 : i32
        %dma_start3A_262 = tpu.memref_slice %arg3[%dma_start3A_260, %dma_start3A_261] : memref<1000000x64xf32, #tpu.memory_space<hbm>> -> memref<1000000x64xf32, #tpu.memory_space<hbm>>
        tpu.enqueue_indirect_dma source(%dma_start3A_262 : memref<1000000x64xf32, #tpu.memory_space<hbm>>) target(%dma_start3A_256 : memref<72x64xf32, #tpu.memory_space<vmem>>) offsets(%dma_start3A_259 : memref<72xi32, #tpu.memory_space<vmem>>) semaphore(%arg10 : memref<!tpu.dma_semaphore, #tpu.memory_space<semaphore_mem>>)
      } else {
      }
      %scan3A_201 = arith.constant 0 : i32
      %scan3A_202 = arith.constant 200 : i32
      %scan3A_203 = arith.addi %scan3A_201, %scan3A_202 : i32
      %scan3A_204 = arith.constant 4 : i32
      %scan3A_205:5 = scf.for %scan3A_239 = %scan3A_201 to %scan3A_203 step %scan3A_204 iter_args(%scan3A_240 = %broadcast_in_dim3A_66, %scan3A_241 = %broadcast_in_dim3A_66, %scan3A_242 = %broadcast_in_dim3A_66, %scan3A_243 = %broadcast_in_dim3A_66, %scan3A_244 = %broadcast_in_dim3A_66) -> (vector<16xf32>, vector<16xf32>, vector<16xf32>, vector<16xf32>, vector<16xf32>)  : i32 {
        %get3A_245 = arith.constant 1 : i32
        %get3A_246 = arith.index_cast %get3A_245 : i32 to index
        %get3A_247 = arith.index_cast %scan3A_239 : i32 to index
        %get3A_248 = arith.constant 0 : index
        %get3A_249 = tpu.vector_load %arg7[%get3A_246, %get3A_247, %get3A_248] {strides = array<i32>} : memref<2x200x64xf32, #tpu.memory_space<vmem>>, vector<1x1x16xf32>,
        %get3A_250 = vector.shape_cast %get3A_249 : vector<1x1x16xf32> to vector<16xf32>
        %get3A_251 = arith.constant 1 : i32
        %get3A_252 = arith.index_cast %get3A_251 : i32 to index
        %get3A_253 = arith.index_cast %scan3A_239 : i32 to index
        %get3A_254 = arith.constant 16 : index
        %get3A_255 = tpu.vector_load %arg7[%get3A_252, %get3A_253, %get3A_254] {strides = array<i32>} : memref<2x200x64xf32, #tpu.memory_space<vmem>>, vector<1x1x16xf32>,
        %get3A_256 = vector.shape_cast %get3A_255 : vector<1x1x16xf32> to vector<16xf32>
        %get3A_257 = arith.constant 1 : i32
        %get3A_258 = arith.index_cast %get3A_257 : i32 to index
        %get3A_259 = arith.index_cast %scan3A_239 : i32 to index
        %get3A_260 = arith.constant 32 : index
        %get3A_261 = tpu.vector_load %arg7[%get3A_258, %get3A_259, %get3A_260] {strides = array<i32>} : memref<2x200x64xf32, #tpu.memory_space<vmem>>, vector<1x1x16xf32>,
        %get3A_262 = vector.shape_cast %get3A_261 : vector<1x1x16xf32> to vector<16xf32>
        %get3A_263 = arith.constant 1 : i32
        %get3A_264 = arith.index_cast %get3A_263 : i32 to index
        %get3A_265 = arith.index_cast %scan3A_239 : i32 to index
        %get3A_266 = arith.constant 48 : index
        %get3A_267 = tpu.vector_load %arg7[%get3A_264, %get3A_265, %get3A_266] {strides = array<i32>} : memref<2x200x64xf32, #tpu.memory_space<vmem>>, vector<1x1x16xf32>,
        %get3A_268 = vector.shape_cast %get3A_267 : vector<1x1x16xf32> to vector<16xf32>
        %add3A_269 = arith.addf %get3A_250, %get3A_256 : vector<16xf32>
        %add3A_270 = arith.addf %get3A_262, %get3A_268 : vector<16xf32>
        %add3A_271 = arith.addf %add3A_269, %add3A_270 : vector<16xf32>
        %mul3A_272 = arith.mulf %get3A_250, %get3A_250 : vector<16xf32>
        %mul3A_273 = arith.mulf %get3A_256, %get3A_256 : vector<16xf32>
        %add3A_274 = arith.addf %mul3A_272, %mul3A_273 : vector<16xf32>
        %mul3A_275 = arith.mulf %get3A_262, %get3A_262 : vector<16xf32>
        %mul3A_276 = arith.mulf %get3A_268, %get3A_268 : vector<16xf32>
        %add3A_277 = arith.addf %mul3A_275, %mul3A_276 : vector<16xf32>
        %add3A_278 = arith.addf %add3A_274, %add3A_277 : vector<16xf32>
        %broadcast_in_dim3A_279 = vector.shape_cast %and3A_30 : vector<16xi32> to vector<16x1xi32>
        %gather3A = vector.shape_cast %broadcast_in_dim3A_279 : vector<16x1xi32> to vector<16xi32>
        %gather3A_280 = tpu.dynamic_gather %add3A_271[%gather3A] in [0] : vector<16xf32>, vector<16xi32> -> vector<16xf32>
        %add3A_281 = arith.addf %add3A_271, %gather3A_280 : vector<16xf32>
        %broadcast_in_dim3A_282 = vector.shape_cast %and3A_30 : vector<16xi32> to vector<16x1xi32>
        %gather3A_283 = vector.shape_cast %broadcast_in_dim3A_282 : vector<16x1xi32> to vector<16xi32>
        %gather3A_284 = tpu.dynamic_gather %add3A_278[%gather3A_283] in [0] : vector<16xf32>, vector<16xi32> -> vector<16xf32>
        %add3A_285 = arith.addf %add3A_278, %gather3A_284 : vector<16xf32>
        %select_n3A = arith.select %lt3A_61, %add3A_281, %add3A_285 : vector<16xi1>, vector<16xf32>
        %broadcast_in_dim3A_286 = vector.shape_cast %or3A : vector<16xi32> to vector<16x1xi32>
        %gather3A_287 = vector.shape_cast %broadcast_in_dim3A_286 : vector<16x1xi32> to vector<16xi32>
        %gather3A_288 = tpu.dynamic_gather %select_n3A[%gather3A_287] in [0] : vector<16xf32>, vector<16xi32> -> vector<16xf32>
        %add3A_289 = arith.addf %select_n3A, %gather3A_288 : vector<16xf32>
        %broadcast_in_dim3A_290 = vector.shape_cast %or3A_49 : vector<16xi32> to vector<16x1xi32>
        %gather3A_291 = vector.shape_cast %broadcast_in_dim3A_290 : vector<16x1xi32> to vector<16xi32>
        %gather3A_292 = tpu.dynamic_gather %add3A_289[%gather3A_291] in [0] : vector<16xf32>, vector<16xi32> -> vector<16xf32>
        %add3A_293 = arith.addf %add3A_289, %gather3A_292 : vector<16xf32>
        %broadcast_in_dim3A_294 = vector.shape_cast %or3A_59 : vector<16xi32> to vector<16x1xi32>
        %gather3A_295 = vector.shape_cast %broadcast_in_dim3A_294 : vector<16x1xi32> to vector<16xi32>
        %gather3A_296 = tpu.dynamic_gather %add3A_293[%gather3A_295] in [0] : vector<16xf32>, vector<16xi32> -> vector<16xf32>
        %add3A_297 = arith.addf %add3A_293, %gather3A_296 : vector<16xf32>
        %broadcast_in_dim3A_298 = vector.shape_cast %broadcast_in_dim3A_62 : vector<16xi32> to vector<16x1xi32>
        %gather3A_299 = vector.shape_cast %broadcast_in_dim3A_298 : vector<16x1xi32> to vector<16xi32>
        %gather3A_300 = tpu.dynamic_gather %add3A_297[%gather3A_299] in [0] : vector<16xf32>, vector<16xi32> -> vector<16xf32>
        %mul3A_301 = arith.constant 1.562500e-02 : f32
        %mul3A_302 = vector.broadcast %mul3A_301 : f32 to vector<16xf32>
        %mul3A_303 = arith.mulf %gather3A_300, %mul3A_302 : vector<16xf32>
        %broadcast_in_dim3A_304 = vector.shape_cast %broadcast_in_dim3A_64 : vector<16xi32> to vector<16x1xi32>
        %gather3A_305 = vector.shape_cast %broadcast_in_dim3A_304 : vector<16x1xi32> to vector<16xi32>
        %gather3A_306 = tpu.dynamic_gather %add3A_297[%gather3A_305] in [0] : vector<16xf32>, vector<16xi32> -> vector<16xf32>
        %mul3A_307 = arith.constant 1.562500e-02 : f32
        %mul3A_308 = vector.broadcast %mul3A_307 : f32 to vector<16xf32>
        %mul3A_309 = arith.mulf %gather3A_306, %mul3A_308 : vector<16xf32>
        %add3A_310 = arith.constant 9.99999974E-6 : f32
        %add3A_311 = vector.broadcast %add3A_310 : f32 to vector<16xf32>
        %add3A_312 = arith.addf %mul3A_309, %add3A_311 : vector<16xf32>
        %mul3A_313 = arith.mulf %mul3A_303, %mul3A_303 : vector<16xf32>
        %sub3A_314 = arith.subf %add3A_312, %mul3A_313 : vector<16xf32>
        %bitcast_convert_type3A = tpu.bitcast %sub3A_314 : vector<16xf32> -> vector<16xi32>
        %shift_right_arithmetic3A = arith.constant 1 : i32
        %shift_right_arithmetic3A_315 = vector.broadcast %shift_right_arithmetic3A : i32 to vector<16xi32>
        %shift_right_arithmetic3A_316 = arith.shrsi %bitcast_convert_type3A, %shift_right_arithmetic3A_315 : vector<16xi32>
        %sub3A_317 = arith.constant 1597463007 : i32
        %sub3A_318 = vector.broadcast %sub3A_317 : i32 to vector<16xi32>
        %sub3A_319 = arith.subi %sub3A_318, %shift_right_arithmetic3A_316 : vector<16xi32>
        %bitcast_convert_type3A_320 = tpu.bitcast %sub3A_319 : vector<16xi32> -> vector<16xf32>
        %mul3A_321 = arith.constant 5.000000e-01 : f32
        %mul3A_322 = vector.broadcast %mul3A_321 : f32 to vector<16xf32>
        %mul3A_323 = arith.mulf %mul3A_322, %sub3A_314 : vector<16xf32>
        %mul3A_324 = arith.mulf %bitcast_convert_type3A_320, %bitcast_convert_type3A_320 : vector<16xf32>
        %mul3A_325 = arith.mulf %mul3A_323, %mul3A_324 : vector<16xf32>
        %sub3A_326 = arith.constant 1.500000e+00 : f32
        %sub3A_327 = vector.broadcast %sub3A_326 : f32 to vector<16xf32>
        %sub3A_328 = arith.subf %sub3A_327, %mul3A_325 : vector<16xf32>
        %mul3A_329 = arith.mulf %bitcast_convert_type3A_320, %sub3A_328 : vector<16xf32>
        %mul3A_330 = arith.mulf %get3A_250, %mul3A_329 : vector<16xf32>
        %add3A_331 = arith.addf %scan3A_240, %mul3A_330 : vector<16xf32>
        %mul3A_332 = arith.mulf %get3A_256, %mul3A_329 : vector<16xf32>
        %add3A_333 = arith.addf %scan3A_241, %mul3A_332 : vector<16xf32>
        %mul3A_334 = arith.mulf %get3A_262, %mul3A_329 : vector<16xf32>
        %add3A_335 = arith.addf %scan3A_242, %mul3A_334 : vector<16xf32>
        %mul3A_336 = arith.mulf %get3A_268, %mul3A_329 : vector<16xf32>
        %add3A_337 = arith.addf %scan3A_243, %mul3A_336 : vector<16xf32>
        %mul3A_338 = arith.mulf %mul3A_303, %mul3A_329 : vector<16xf32>
        %add3A_339 = arith.addf %scan3A_244, %mul3A_338 : vector<16xf32>
        %scan3A_340 = arith.constant 1 : i32
        %scan3A_341 = arith.addi %scan3A_239, %scan3A_340 : i32
        %get3A_342 = arith.constant 1 : i32
        %get3A_343 = arith.index_cast %get3A_342 : i32 to index
        %get3A_344 = arith.index_cast %scan3A_341 : i32 to index
        %get3A_345 = arith.constant 0 : index
        %get3A_346 = tpu.vector_load %arg7[%get3A_343, %get3A_344, %get3A_345] {strides = array<i32>} : memref<2x200x64xf32, #tpu.memory_space<vmem>>, vector<1x1x16xf32>,
        %get3A_347 = vector.shape_cast %get3A_346 : vector<1x1x16xf32> to vector<16xf32>
        %get3A_348 = arith.constant 1 : i32
        %get3A_349 = arith.index_cast %get3A_348 : i32 to index
        %get3A_350 = arith.index_cast %scan3A_341 : i32 to index
        %get3A_351 = arith.constant 16 : index
        %get3A_352 = tpu.vector_load %arg7[%get3A_349, %get3A_350, %get3A_351] {strides = array<i32>} : memref<2x200x64xf32, #tpu.memory_space<vmem>>, vector<1x1x16xf32>,
        %get3A_353 = vector.shape_cast %get3A_352 : vector<1x1x16xf32> to vector<16xf32>
        %get3A_354 = arith.constant 1 : i32
        %get3A_355 = arith.index_cast %get3A_354 : i32 to index
        %get3A_356 = arith.index_cast %scan3A_341 : i32 to index
        %get3A_357 = arith.constant 32 : index
        %get3A_358 = tpu.vector_load %arg7[%get3A_355, %get3A_356, %get3A_357] {strides = array<i32>} : memref<2x200x64xf32, #tpu.memory_space<vmem>>, vector<1x1x16xf32>,
        %get3A_359 = vector.shape_cast %get3A_358 : vector<1x1x16xf32> to vector<16xf32>
        %get3A_360 = arith.constant 1 : i32
        %get3A_361 = arith.index_cast %get3A_360 : i32 to index
        %get3A_362 = arith.index_cast %scan3A_341 : i32 to index
        %get3A_363 = arith.constant 48 : index
        %get3A_364 = tpu.vector_load %arg7[%get3A_361, %get3A_362, %get3A_363] {strides = array<i32>} : memref<2x200x64xf32, #tpu.memory_space<vmem>>, vector<1x1x16xf32>,
        %get3A_365 = vector.shape_cast %get3A_364 : vector<1x1x16xf32> to vector<16xf32>
        %add3A_366 = arith.addf %get3A_347, %get3A_353 : vector<16xf32>
        %add3A_367 = arith.addf %get3A_359, %get3A_365 : vector<16xf32>
        %add3A_368 = arith.addf %add3A_366, %add3A_367 : vector<16xf32>
        %mul3A_369 = arith.mulf %get3A_347, %get3A_347 : vector<16xf32>
        %mul3A_370 = arith.mulf %get3A_353, %get3A_353 : vector<16xf32>
        %add3A_371 = arith.addf %mul3A_369, %mul3A_370 : vector<16xf32>
        %mul3A_372 = arith.mulf %get3A_359, %get3A_359 : vector<16xf32>
        %mul3A_373 = arith.mulf %get3A_365, %get3A_365 : vector<16xf32>
        %add3A_374 = arith.addf %mul3A_372, %mul3A_373 : vector<16xf32>
        %add3A_375 = arith.addf %add3A_371, %add3A_374 : vector<16xf32>
        %broadcast_in_dim3A_376 = vector.shape_cast %and3A_30 : vector<16xi32> to vector<16x1xi32>
        %gather3A_377 = vector.shape_cast %broadcast_in_dim3A_376 : vector<16x1xi32> to vector<16xi32>
        %gather3A_378 = tpu.dynamic_gather %add3A_368[%gather3A_377] in [0] : vector<16xf32>, vector<16xi32> -> vector<16xf32>
        %add3A_379 = arith.addf %add3A_368, %gather3A_378 : vector<16xf32>
        %broadcast_in_dim3A_380 = vector.shape_cast %and3A_30 : vector<16xi32> to vector<16x1xi32>
        %gather3A_381 = vector.shape_cast %broadcast_in_dim3A_380 : vector<16x1xi32> to vector<16xi32>
        %gather3A_382 = tpu.dynamic_gather %add3A_375[%gather3A_381] in [0] : vector<16xf32>, vector<16xi32> -> vector<16xf32>
        %add3A_383 = arith.addf %add3A_375, %gather3A_382 : vector<16xf32>
        %select_n3A_384 = arith.select %lt3A_61, %add3A_379, %add3A_383 : vector<16xi1>, vector<16xf32>
        %broadcast_in_dim3A_385 = vector.shape_cast %or3A : vector<16xi32> to vector<16x1xi32>
        %gather3A_386 = vector.shape_cast %broadcast_in_dim3A_385 : vector<16x1xi32> to vector<16xi32>
        %gather3A_387 = tpu.dynamic_gather %select_n3A_384[%gather3A_386] in [0] : vector<16xf32>, vector<16xi32> -> vector<16xf32>
        %add3A_388 = arith.addf %select_n3A_384, %gather3A_387 : vector<16xf32>
        %broadcast_in_dim3A_389 = vector.shape_cast %or3A_49 : vector<16xi32> to vector<16x1xi32>
        %gather3A_390 = vector.shape_cast %broadcast_in_dim3A_389 : vector<16x1xi32> to vector<16xi32>
        %gather3A_391 = tpu.dynamic_gather %add3A_388[%gather3A_390] in [0] : vector<16xf32>, vector<16xi32> -> vector<16xf32>
        %add3A_392 = arith.addf %add3A_388, %gather3A_391 : vector<16xf32>
        %broadcast_in_dim3A_393 = vector.shape_cast %or3A_59 : vector<16xi32> to vector<16x1xi32>
        %gather3A_394 = vector.shape_cast %broadcast_in_dim3A_393 : vector<16x1xi32> to vector<16xi32>
        %gather3A_395 = tpu.dynamic_gather %add3A_392[%gather3A_394] in [0] : vector<16xf32>, vector<16xi32> -> vector<16xf32>
        %add3A_396 = arith.addf %add3A_392, %gather3A_395 : vector<16xf32>
        %broadcast_in_dim3A_397 = vector.shape_cast %broadcast_in_dim3A_62 : vector<16xi32> to vector<16x1xi32>
        %gather3A_398 = vector.shape_cast %broadcast_in_dim3A_397 : vector<16x1xi32> to vector<16xi32>
        %gather3A_399 = tpu.dynamic_gather %add3A_396[%gather3A_398] in [0] : vector<16xf32>, vector<16xi32> -> vector<16xf32>
        %mul3A_400 = arith.constant 1.562500e-02 : f32
        %mul3A_401 = vector.broadcast %mul3A_400 : f32 to vector<16xf32>
        %mul3A_402 = arith.mulf %gather3A_399, %mul3A_401 : vector<16xf32>
        %broadcast_in_dim3A_403 = vector.shape_cast %broadcast_in_dim3A_64 : vector<16xi32> to vector<16x1xi32>
        %gather3A_404 = vector.shape_cast %broadcast_in_dim3A_403 : vector<16x1xi32> to vector<16xi32>
        %gather3A_405 = tpu.dynamic_gather %add3A_396[%gather3A_404] in [0] : vector<16xf32>, vector<16xi32> -> vector<16xf32>
        %mul3A_406 = arith.constant 1.562500e-02 : f32
        %mul3A_407 = vector.broadcast %mul3A_406 : f32 to vector<16xf32>
        %mul3A_408 = arith.mulf %gather3A_405, %mul3A_407 : vector<16xf32>
        %add3A_409 = arith.constant 9.99999974E-6 : f32
        %add3A_410 = vector.broadcast %add3A_409 : f32 to vector<16xf32>
        %add3A_411 = arith.addf %mul3A_408, %add3A_410 : vector<16xf32>
        %mul3A_412 = arith.mulf %mul3A_402, %mul3A_402 : vector<16xf32>
        %sub3A_413 = arith.subf %add3A_411, %mul3A_412 : vector<16xf32>
        %bitcast_convert_type3A_414 = tpu.bitcast %sub3A_413 : vector<16xf32> -> vector<16xi32>
        %shift_right_arithmetic3A_415 = arith.constant 1 : i32
        %shift_right_arithmetic3A_416 = vector.broadcast %shift_right_arithmetic3A_415 : i32 to vector<16xi32>
        %shift_right_arithmetic3A_417 = arith.shrsi %bitcast_convert_type3A_414, %shift_right_arithmetic3A_416 : vector<16xi32>
        %sub3A_418 = arith.constant 1597463007 : i32
        %sub3A_419 = vector.broadcast %sub3A_418 : i32 to vector<16xi32>
        %sub3A_420 = arith.subi %sub3A_419, %shift_right_arithmetic3A_417 : vector<16xi32>
        %bitcast_convert_type3A_421 = tpu.bitcast %sub3A_420 : vector<16xi32> -> vector<16xf32>
        %mul3A_422 = arith.constant 5.000000e-01 : f32
        %mul3A_423 = vector.broadcast %mul3A_422 : f32 to vector<16xf32>
        %mul3A_424 = arith.mulf %mul3A_423, %sub3A_413 : vector<16xf32>
        %mul3A_425 = arith.mulf %bitcast_convert_type3A_421, %bitcast_convert_type3A_421 : vector<16xf32>
        %mul3A_426 = arith.mulf %mul3A_424, %mul3A_425 : vector<16xf32>
        %sub3A_427 = arith.constant 1.500000e+00 : f32
        %sub3A_428 = vector.broadcast %sub3A_427 : f32 to vector<16xf32>
        %sub3A_429 = arith.subf %sub3A_428, %mul3A_426 : vector<16xf32>
        %mul3A_430 = arith.mulf %bitcast_convert_type3A_421, %sub3A_429 : vector<16xf32>
        %mul3A_431 = arith.mulf %get3A_347, %mul3A_430 : vector<16xf32>
        %add3A_432 = arith.addf %add3A_331, %mul3A_431 : vector<16xf32>
        %mul3A_433 = arith.mulf %get3A_353, %mul3A_430 : vector<16xf32>
        %add3A_434 = arith.addf %add3A_333, %mul3A_433 : vector<16xf32>
        %mul3A_435 = arith.mulf %get3A_359, %mul3A_430 : vector<16xf32>
        %add3A_436 = arith.addf %add3A_335, %mul3A_435 : vector<16xf32>
        %mul3A_437 = arith.mulf %get3A_365, %mul3A_430 : vector<16xf32>
        %add3A_438 = arith.addf %add3A_337, %mul3A_437 : vector<16xf32>
        %mul3A_439 = arith.mulf %mul3A_402, %mul3A_430 : vector<16xf32>
        %add3A_440 = arith.addf %add3A_339, %mul3A_439 : vector<16xf32>
        %scan3A_441 = arith.constant 2 : i32
        %scan3A_442 = arith.addi %scan3A_239, %scan3A_441 : i32
        %get3A_443 = arith.constant 1 : i32
        %get3A_444 = arith.index_cast %get3A_443 : i32 to index
        %get3A_445 = arith.index_cast %scan3A_442 : i32 to index
        %get3A_446 = arith.constant 0 : index
        %get3A_447 = tpu.vector_load %arg7[%get3A_444, %get3A_445, %get3A_446] {strides = array<i32>} : memref<2x200x64xf32, #tpu.memory_space<vmem>>, vector<1x1x16xf32>,
        %get3A_448 = vector.shape_cast %get3A_447 : vector<1x1x16xf32> to vector<16xf32>
        %get3A_449 = arith.constant 1 : i32
        %get3A_450 = arith.index_cast %get3A_449 : i32 to index
        %get3A_451 = arith.index_cast %scan3A_442 : i32 to index
        %get3A_452 = arith.constant 16 : index
        %get3A_453 = tpu.vector_load %arg7[%get3A_450, %get3A_451, %get3A_452] {strides = array<i32>} : memref<2x200x64xf32, #tpu.memory_space<vmem>>, vector<1x1x16xf32>,
        %get3A_454 = vector.shape_cast %get3A_453 : vector<1x1x16xf32> to vector<16xf32>
        %get3A_455 = arith.constant 1 : i32
        %get3A_456 = arith.index_cast %get3A_455 : i32 to index
        %get3A_457 = arith.index_cast %scan3A_442 : i32 to index
        %get3A_458 = arith.constant 32 : index
        %get3A_459 = tpu.vector_load %arg7[%get3A_456, %get3A_457, %get3A_458] {strides = array<i32>} : memref<2x200x64xf32, #tpu.memory_space<vmem>>, vector<1x1x16xf32>,
        %get3A_460 = vector.shape_cast %get3A_459 : vector<1x1x16xf32> to vector<16xf32>
        %get3A_461 = arith.constant 1 : i32
        %get3A_462 = arith.index_cast %get3A_461 : i32 to index
        %get3A_463 = arith.index_cast %scan3A_442 : i32 to index
        %get3A_464 = arith.constant 48 : index
        %get3A_465 = tpu.vector_load %arg7[%get3A_462, %get3A_463, %get3A_464] {strides = array<i32>} : memref<2x200x64xf32, #tpu.memory_space<vmem>>, vector<1x1x16xf32>,
        %get3A_466 = vector.shape_cast %get3A_465 : vector<1x1x16xf32> to vector<16xf32>
        %add3A_467 = arith.addf %get3A_448, %get3A_454 : vector<16xf32>
        %add3A_468 = arith.addf %get3A_460, %get3A_466 : vector<16xf32>
        %add3A_469 = arith.addf %add3A_467, %add3A_468 : vector<16xf32>
        %mul3A_470 = arith.mulf %get3A_448, %get3A_448 : vector<16xf32>
        %mul3A_471 = arith.mulf %get3A_454, %get3A_454 : vector<16xf32>
        %add3A_472 = arith.addf %mul3A_470, %mul3A_471 : vector<16xf32>
        %mul3A_473 = arith.mulf %get3A_460, %get3A_460 : vector<16xf32>
        %mul3A_474 = arith.mulf %get3A_466, %get3A_466 : vector<16xf32>
        %add3A_475 = arith.addf %mul3A_473, %mul3A_474 : vector<16xf32>
        %add3A_476 = arith.addf %add3A_472, %add3A_475 : vector<16xf32>
        %broadcast_in_dim3A_477 = vector.shape_cast %and3A_30 : vector<16xi32> to vector<16x1xi32>
        %gather3A_478 = vector.shape_cast %broadcast_in_dim3A_477 : vector<16x1xi32> to vector<16xi32>
        %gather3A_479 = tpu.dynamic_gather %add3A_469[%gather3A_478] in [0] : vector<16xf32>, vector<16xi32> -> vector<16xf32>
        %add3A_480 = arith.addf %add3A_469, %gather3A_479 : vector<16xf32>
        %broadcast_in_dim3A_481 = vector.shape_cast %and3A_30 : vector<16xi32> to vector<16x1xi32>
        %gather3A_482 = vector.shape_cast %broadcast_in_dim3A_481 : vector<16x1xi32> to vector<16xi32>
        %gather3A_483 = tpu.dynamic_gather %add3A_476[%gather3A_482] in [0] : vector<16xf32>, vector<16xi32> -> vector<16xf32>
        %add3A_484 = arith.addf %add3A_476, %gather3A_483 : vector<16xf32>
        %select_n3A_485 = arith.select %lt3A_61, %add3A_480, %add3A_484 : vector<16xi1>, vector<16xf32>
        %broadcast_in_dim3A_486 = vector.shape_cast %or3A : vector<16xi32> to vector<16x1xi32>
        %gather3A_487 = vector.shape_cast %broadcast_in_dim3A_486 : vector<16x1xi32> to vector<16xi32>
        %gather3A_488 = tpu.dynamic_gather %select_n3A_485[%gather3A_487] in [0] : vector<16xf32>, vector<16xi32> -> vector<16xf32>
        %add3A_489 = arith.addf %select_n3A_485, %gather3A_488 : vector<16xf32>
        %broadcast_in_dim3A_490 = vector.shape_cast %or3A_49 : vector<16xi32> to vector<16x1xi32>
        %gather3A_491 = vector.shape_cast %broadcast_in_dim3A_490 : vector<16x1xi32> to vector<16xi32>
        %gather3A_492 = tpu.dynamic_gather %add3A_489[%gather3A_491] in [0] : vector<16xf32>, vector<16xi32> -> vector<16xf32>
        %add3A_493 = arith.addf %add3A_489, %gather3A_492 : vector<16xf32>
        %broadcast_in_dim3A_494 = vector.shape_cast %or3A_59 : vector<16xi32> to vector<16x1xi32>
        %gather3A_495 = vector.shape_cast %broadcast_in_dim3A_494 : vector<16x1xi32> to vector<16xi32>
        %gather3A_496 = tpu.dynamic_gather %add3A_493[%gather3A_495] in [0] : vector<16xf32>, vector<16xi32> -> vector<16xf32>
        %add3A_497 = arith.addf %add3A_493, %gather3A_496 : vector<16xf32>
        %broadcast_in_dim3A_498 = vector.shape_cast %broadcast_in_dim3A_62 : vector<16xi32> to vector<16x1xi32>
        %gather3A_499 = vector.shape_cast %broadcast_in_dim3A_498 : vector<16x1xi32> to vector<16xi32>
        %gather3A_500 = tpu.dynamic_gather %add3A_497[%gather3A_499] in [0] : vector<16xf32>, vector<16xi32> -> vector<16xf32>
        %mul3A_501 = arith.constant 1.562500e-02 : f32
        %mul3A_502 = vector.broadcast %mul3A_501 : f32 to vector<16xf32>
        %mul3A_503 = arith.mulf %gather3A_500, %mul3A_502 : vector<16xf32>
        %broadcast_in_dim3A_504 = vector.shape_cast %broadcast_in_dim3A_64 : vector<16xi32> to vector<16x1xi32>
        %gather3A_505 = vector.shape_cast %broadcast_in_dim3A_504 : vector<16x1xi32> to vector<16xi32>
        %gather3A_506 = tpu.dynamic_gather %add3A_497[%gather3A_505] in [0] : vector<16xf32>, vector<16xi32> -> vector<16xf32>
        %mul3A_507 = arith.constant 1.562500e-02 : f32
        %mul3A_508 = vector.broadcast %mul3A_507 : f32 to vector<16xf32>
        %mul3A_509 = arith.mulf %gather3A_506, %mul3A_508 : vector<16xf32>
        %add3A_510 = arith.constant 9.99999974E-6 : f32
        %add3A_511 = vector.broadcast %add3A_510 : f32 to vector<16xf32>
        %add3A_512 = arith.addf %mul3A_509, %add3A_511 : vector<16xf32>
        %mul3A_513 = arith.mulf %mul3A_503, %mul3A_503 : vector<16xf32>
        %sub3A_514 = arith.subf %add3A_512, %mul3A_513 : vector<16xf32>
        %bitcast_convert_type3A_515 = tpu.bitcast %sub3A_514 : vector<16xf32> -> vector<16xi32>
        %shift_right_arithmetic3A_516 = arith.constant 1 : i32
        %shift_right_arithmetic3A_517 = vector.broadcast %shift_right_arithmetic3A_516 : i32 to vector<16xi32>
        %shift_right_arithmetic3A_518 = arith.shrsi %bitcast_convert_type3A_515, %shift_right_arithmetic3A_517 : vector<16xi32>
        %sub3A_519 = arith.constant 1597463007 : i32
        %sub3A_520 = vector.broadcast %sub3A_519 : i32 to vector<16xi32>
        %sub3A_521 = arith.subi %sub3A_520, %shift_right_arithmetic3A_518 : vector<16xi32>
        %bitcast_convert_type3A_522 = tpu.bitcast %sub3A_521 : vector<16xi32> -> vector<16xf32>
        %mul3A_523 = arith.constant 5.000000e-01 : f32
        %mul3A_524 = vector.broadcast %mul3A_523 : f32 to vector<16xf32>
        %mul3A_525 = arith.mulf %mul3A_524, %sub3A_514 : vector<16xf32>
        %mul3A_526 = arith.mulf %bitcast_convert_type3A_522, %bitcast_convert_type3A_522 : vector<16xf32>
        %mul3A_527 = arith.mulf %mul3A_525, %mul3A_526 : vector<16xf32>
        %sub3A_528 = arith.constant 1.500000e+00 : f32
        %sub3A_529 = vector.broadcast %sub3A_528 : f32 to vector<16xf32>
        %sub3A_530 = arith.subf %sub3A_529, %mul3A_527 : vector<16xf32>
        %mul3A_531 = arith.mulf %bitcast_convert_type3A_522, %sub3A_530 : vector<16xf32>
        %mul3A_532 = arith.mulf %get3A_448, %mul3A_531 : vector<16xf32>
        %add3A_533 = arith.addf %add3A_432, %mul3A_532 : vector<16xf32>
        %mul3A_534 = arith.mulf %get3A_454, %mul3A_531 : vector<16xf32>
        %add3A_535 = arith.addf %add3A_434, %mul3A_534 : vector<16xf32>
        %mul3A_536 = arith.mulf %get3A_460, %mul3A_531 : vector<16xf32>
        %add3A_537 = arith.addf %add3A_436, %mul3A_536 : vector<16xf32>
        %mul3A_538 = arith.mulf %get3A_466, %mul3A_531 : vector<16xf32>
        %add3A_539 = arith.addf %add3A_438, %mul3A_538 : vector<16xf32>
        %mul3A_540 = arith.mulf %mul3A_503, %mul3A_531 : vector<16xf32>
        %add3A_541 = arith.addf %add3A_440, %mul3A_540 : vector<16xf32>
        %scan3A_542 = arith.constant 3 : i32
        %scan3A_543 = arith.addi %scan3A_239, %scan3A_542 : i32
        %get3A_544 = arith.constant 1 : i32
        %get3A_545 = arith.index_cast %get3A_544 : i32 to index
        %get3A_546 = arith.index_cast %scan3A_543 : i32 to index
        %get3A_547 = arith.constant 0 : index
        %get3A_548 = tpu.vector_load %arg7[%get3A_545, %get3A_546, %get3A_547] {strides = array<i32>} : memref<2x200x64xf32, #tpu.memory_space<vmem>>, vector<1x1x16xf32>,
        %get3A_549 = vector.shape_cast %get3A_548 : vector<1x1x16xf32> to vector<16xf32>
        %get3A_550 = arith.constant 1 : i32
        %get3A_551 = arith.index_cast %get3A_550 : i32 to index
        %get3A_552 = arith.index_cast %scan3A_543 : i32 to index
        %get3A_553 = arith.constant 16 : index
        %get3A_554 = tpu.vector_load %arg7[%get3A_551, %get3A_552, %get3A_553] {strides = array<i32>} : memref<2x200x64xf32, #tpu.memory_space<vmem>>, vector<1x1x16xf32>,
        %get3A_555 = vector.shape_cast %get3A_554 : vector<1x1x16xf32> to vector<16xf32>
        %get3A_556 = arith.constant 1 : i32
        %get3A_557 = arith.index_cast %get3A_556 : i32 to index
        %get3A_558 = arith.index_cast %scan3A_543 : i32 to index
        %get3A_559 = arith.constant 32 : index
        %get3A_560 = tpu.vector_load %arg7[%get3A_557, %get3A_558, %get3A_559] {strides = array<i32>} : memref<2x200x64xf32, #tpu.memory_space<vmem>>, vector<1x1x16xf32>,
        %get3A_561 = vector.shape_cast %get3A_560 : vector<1x1x16xf32> to vector<16xf32>
        %get3A_562 = arith.constant 1 : i32
        %get3A_563 = arith.index_cast %get3A_562 : i32 to index
        %get3A_564 = arith.index_cast %scan3A_543 : i32 to index
        %get3A_565 = arith.constant 48 : index
        %get3A_566 = tpu.vector_load %arg7[%get3A_563, %get3A_564, %get3A_565] {strides = array<i32>} : memref<2x200x64xf32, #tpu.memory_space<vmem>>, vector<1x1x16xf32>,
        %get3A_567 = vector.shape_cast %get3A_566 : vector<1x1x16xf32> to vector<16xf32>
        %add3A_568 = arith.addf %get3A_549, %get3A_555 : vector<16xf32>
        %add3A_569 = arith.addf %get3A_561, %get3A_567 : vector<16xf32>
        %add3A_570 = arith.addf %add3A_568, %add3A_569 : vector<16xf32>
        %mul3A_571 = arith.mulf %get3A_549, %get3A_549 : vector<16xf32>
        %mul3A_572 = arith.mulf %get3A_555, %get3A_555 : vector<16xf32>
        %add3A_573 = arith.addf %mul3A_571, %mul3A_572 : vector<16xf32>
        %mul3A_574 = arith.mulf %get3A_561, %get3A_561 : vector<16xf32>
        %mul3A_575 = arith.mulf %get3A_567, %get3A_567 : vector<16xf32>
        %add3A_576 = arith.addf %mul3A_574, %mul3A_575 : vector<16xf32>
        %add3A_577 = arith.addf %add3A_573, %add3A_576 : vector<16xf32>
        %broadcast_in_dim3A_578 = vector.shape_cast %and3A_30 : vector<16xi32> to vector<16x1xi32>
        %gather3A_579 = vector.shape_cast %broadcast_in_dim3A_578 : vector<16x1xi32> to vector<16xi32>
        %gather3A_580 = tpu.dynamic_gather %add3A_570[%gather3A_579] in [0] : vector<16xf32>, vector<16xi32> -> vector<16xf32>
        %add3A_581 = arith.addf %add3A_570, %gather3A_580 : vector<16xf32>
        %broadcast_in_dim3A_582 = vector.shape_cast %and3A_30 : vector<16xi32> to vector<16x1xi32>
        %gather3A_583 = vector.shape_cast %broadcast_in_dim3A_582 : vector<16x1xi32> to vector<16xi32>
        %gather3A_584 = tpu.dynamic_gather %add3A_577[%gather3A_583] in [0] : vector<16xf32>, vector<16xi32> -> vector<16xf32>
        %add3A_585 = arith.addf %add3A_577, %gather3A_584 : vector<16xf32>
        %select_n3A_586 = arith.select %lt3A_61, %add3A_581, %add3A_585 : vector<16xi1>, vector<16xf32>
        %broadcast_in_dim3A_587 = vector.shape_cast %or3A : vector<16xi32> to vector<16x1xi32>
        %gather3A_588 = vector.shape_cast %broadcast_in_dim3A_587 : vector<16x1xi32> to vector<16xi32>
        %gather3A_589 = tpu.dynamic_gather %select_n3A_586[%gather3A_588] in [0] : vector<16xf32>, vector<16xi32> -> vector<16xf32>
        %add3A_590 = arith.addf %select_n3A_586, %gather3A_589 : vector<16xf32>
        %broadcast_in_dim3A_591 = vector.shape_cast %or3A_49 : vector<16xi32> to vector<16x1xi32>
        %gather3A_592 = vector.shape_cast %broadcast_in_dim3A_591 : vector<16x1xi32> to vector<16xi32>
        %gather3A_593 = tpu.dynamic_gather %add3A_590[%gather3A_592] in [0] : vector<16xf32>, vector<16xi32> -> vector<16xf32>
        %add3A_594 = arith.addf %add3A_590, %gather3A_593 : vector<16xf32>
        %broadcast_in_dim3A_595 = vector.shape_cast %or3A_59 : vector<16xi32> to vector<16x1xi32>
        %gather3A_596 = vector.shape_cast %broadcast_in_dim3A_595 : vector<16x1xi32> to vector<16xi32>
        %gather3A_597 = tpu.dynamic_gather %add3A_594[%gather3A_596] in [0] : vector<16xf32>, vector<16xi32> -> vector<16xf32>
        %add3A_598 = arith.addf %add3A_594, %gather3A_597 : vector<16xf32>
        %broadcast_in_dim3A_599 = vector.shape_cast %broadcast_in_dim3A_62 : vector<16xi32> to vector<16x1xi32>
        %gather3A_600 = vector.shape_cast %broadcast_in_dim3A_599 : vector<16x1xi32> to vector<16xi32>
        %gather3A_601 = tpu.dynamic_gather %add3A_598[%gather3A_600] in [0] : vector<16xf32>, vector<16xi32> -> vector<16xf32>
        %mul3A_602 = arith.constant 1.562500e-02 : f32
        %mul3A_603 = vector.broadcast %mul3A_602 : f32 to vector<16xf32>
        %mul3A_604 = arith.mulf %gather3A_601, %mul3A_603 : vector<16xf32>
        %broadcast_in_dim3A_605 = vector.shape_cast %broadcast_in_dim3A_64 : vector<16xi32> to vector<16x1xi32>
        %gather3A_606 = vector.shape_cast %broadcast_in_dim3A_605 : vector<16x1xi32> to vector<16xi32>
        %gather3A_607 = tpu.dynamic_gather %add3A_598[%gather3A_606] in [0] : vector<16xf32>, vector<16xi32> -> vector<16xf32>
        %mul3A_608 = arith.constant 1.562500e-02 : f32
        %mul3A_609 = vector.broadcast %mul3A_608 : f32 to vector<16xf32>
        %mul3A_610 = arith.mulf %gather3A_607, %mul3A_609 : vector<16xf32>
        %add3A_611 = arith.constant 9.99999974E-6 : f32
        %add3A_612 = vector.broadcast %add3A_611 : f32 to vector<16xf32>
        %add3A_613 = arith.addf %mul3A_610, %add3A_612 : vector<16xf32>
        %mul3A_614 = arith.mulf %mul3A_604, %mul3A_604 : vector<16xf32>
        %sub3A_615 = arith.subf %add3A_613, %mul3A_614 : vector<16xf32>
        %bitcast_convert_type3A_616 = tpu.bitcast %sub3A_615 : vector<16xf32> -> vector<16xi32>
        %shift_right_arithmetic3A_617 = arith.constant 1 : i32
        %shift_right_arithmetic3A_618 = vector.broadcast %shift_right_arithmetic3A_617 : i32 to vector<16xi32>
        %shift_right_arithmetic3A_619 = arith.shrsi %bitcast_convert_type3A_616, %shift_right_arithmetic3A_618 : vector<16xi32>
        %sub3A_620 = arith.constant 1597463007 : i32
        %sub3A_621 = vector.broadcast %sub3A_620 : i32 to vector<16xi32>
        %sub3A_622 = arith.subi %sub3A_621, %shift_right_arithmetic3A_619 : vector<16xi32>
        %bitcast_convert_type3A_623 = tpu.bitcast %sub3A_622 : vector<16xi32> -> vector<16xf32>
        %mul3A_624 = arith.constant 5.000000e-01 : f32
        %mul3A_625 = vector.broadcast %mul3A_624 : f32 to vector<16xf32>
        %mul3A_626 = arith.mulf %mul3A_625, %sub3A_615 : vector<16xf32>
        %mul3A_627 = arith.mulf %bitcast_convert_type3A_623, %bitcast_convert_type3A_623 : vector<16xf32>
        %mul3A_628 = arith.mulf %mul3A_626, %mul3A_627 : vector<16xf32>
        %sub3A_629 = arith.constant 1.500000e+00 : f32
        %sub3A_630 = vector.broadcast %sub3A_629 : f32 to vector<16xf32>
        %sub3A_631 = arith.subf %sub3A_630, %mul3A_628 : vector<16xf32>
        %mul3A_632 = arith.mulf %bitcast_convert_type3A_623, %sub3A_631 : vector<16xf32>
        %mul3A_633 = arith.mulf %get3A_549, %mul3A_632 : vector<16xf32>
        %add3A_634 = arith.addf %add3A_533, %mul3A_633 : vector<16xf32>
        %mul3A_635 = arith.mulf %get3A_555, %mul3A_632 : vector<16xf32>
        %add3A_636 = arith.addf %add3A_535, %mul3A_635 : vector<16xf32>
        %mul3A_637 = arith.mulf %get3A_561, %mul3A_632 : vector<16xf32>
        %add3A_638 = arith.addf %add3A_537, %mul3A_637 : vector<16xf32>
        %mul3A_639 = arith.mulf %get3A_567, %mul3A_632 : vector<16xf32>
        %add3A_640 = arith.addf %add3A_539, %mul3A_639 : vector<16xf32>
        %mul3A_641 = arith.mulf %mul3A_604, %mul3A_632 : vector<16xf32>
        %add3A_642 = arith.addf %add3A_541, %mul3A_641 : vector<16xf32>
        scf.yield %add3A_634, %add3A_636, %add3A_638, %add3A_640, %add3A_642 : vector<16xf32>, vector<16xf32>, vector<16xf32>, vector<16xf32>, vector<16xf32>
      }
      %scan3A_206 = arith.constant 200 : i32
      %sub3A_207 = arith.subf %scan3A_205#0, %scan3A_205#4 : vector<16xf32>
      %mul3A_208 = arith.mulf %sub3A_207, %get3A_4 : vector<16xf32>
      %add3A_209 = arith.addf %mul3A_208, %get3A_16 : vector<16xf32>
      %swap3A_210 = arith.index_cast %add3A_169 : i32 to index
      %swap3A_211 = arith.constant 0 : index
      %swap3A_212 = tpu.vector_load %arg8[%swap3A_210, %swap3A_211] {strides = array<i32>} : memref<128x64xf32, #tpu.memory_space<vmem>>, vector<1x16xf32>,
      %swap3A_213 = vector.shape_cast %swap3A_212 : vector<1x16xf32> to vector<16xf32>
      %swap3A_214 = vector.shape_cast %add3A_209 : vector<16xf32> to vector<1x16xf32>
      tpu.vector_store %arg8[%swap3A_210, %swap3A_211], %swap3A_214 {strides = array<i32>} : memref<128x64xf32, #tpu.memory_space<vmem>>, vector<1x16xf32>,
      %sub3A_215 = arith.subf %scan3A_205#1, %scan3A_205#4 : vector<16xf32>
      %mul3A_216 = arith.mulf %sub3A_215, %get3A_7 : vector<16xf32>
      %add3A_217 = arith.addf %mul3A_216, %get3A_19 : vector<16xf32>
      %swap3A_218 = arith.index_cast %add3A_169 : i32 to index
      %swap3A_219 = arith.constant 16 : index
      %swap3A_220 = tpu.vector_load %arg8[%swap3A_218, %swap3A_219] {strides = array<i32>} : memref<128x64xf32, #tpu.memory_space<vmem>>, vector<1x16xf32>,
      %swap3A_221 = vector.shape_cast %swap3A_220 : vector<1x16xf32> to vector<16xf32>
      %swap3A_222 = vector.shape_cast %add3A_217 : vector<16xf32> to vector<1x16xf32>
      tpu.vector_store %arg8[%swap3A_218, %swap3A_219], %swap3A_222 {strides = array<i32>} : memref<128x64xf32, #tpu.memory_space<vmem>>, vector<1x16xf32>,
      %sub3A_223 = arith.subf %scan3A_205#2, %scan3A_205#4 : vector<16xf32>
      %mul3A_224 = arith.mulf %sub3A_223, %get3A_10 : vector<16xf32>
      %add3A_225 = arith.addf %mul3A_224, %get3A_22 : vector<16xf32>
      %swap3A_226 = arith.index_cast %add3A_169 : i32 to index
      %swap3A_227 = arith.constant 32 : index
      %swap3A_228 = tpu.vector_load %arg8[%swap3A_226, %swap3A_227] {strides = array<i32>} : memref<128x64xf32, #tpu.memory_space<vmem>>, vector<1x16xf32>,
      %swap3A_229 = vector.shape_cast %swap3A_228 : vector<1x16xf32> to vector<16xf32>
      %swap3A_230 = vector.shape_cast %add3A_225 : vector<16xf32> to vector<1x16xf32>
      tpu.vector_store %arg8[%swap3A_226, %swap3A_227], %swap3A_230 {strides = array<i32>} : memref<128x64xf32, #tpu.memory_space<vmem>>, vector<1x16xf32>,
      %sub3A_231 = arith.subf %scan3A_205#3, %scan3A_205#4 : vector<16xf32>
      %mul3A_232 = arith.mulf %sub3A_231, %get3A_13 : vector<16xf32>
      %add3A_233 = arith.addf %mul3A_232, %get3A_25 : vector<16xf32>
      %swap3A_234 = arith.index_cast %add3A_169 : i32 to index
      %swap3A_235 = arith.constant 48 : index
      %swap3A_236 = tpu.vector_load %arg8[%swap3A_234, %swap3A_235] {strides = array<i32>} : memref<128x64xf32, #tpu.memory_space<vmem>>, vector<1x16xf32>,
      %swap3A_237 = vector.shape_cast %swap3A_236 : vector<1x16xf32> to vector<16xf32>
      %swap3A_238 = vector.shape_cast %add3A_233 : vector<16xf32> to vector<1x16xf32>
      tpu.vector_store %arg8[%swap3A_234, %swap3A_235], %swap3A_238 {strides = array<i32>} : memref<128x64xf32, #tpu.memory_space<vmem>>, vector<1x16xf32>,
    }
    %scan3A_94 = arith.constant 64 : i32
    %mul3A_95 = arith.constant 128 : i32
    %mul3A_96 = arith.muli %add3A, %mul3A_95 : i32
    "tpu.region"() ({
      %run_scoped3A = tpu.sem_alloc : memref<!tpu.dma_semaphore, #tpu.memory_space<semaphore_mem>>
      %dma_start3A_97 = arith.constant 0 : i32
      %dma_start3A_98 = tpu.memref_slice %arg5[%mul3A_96, %dma_start3A_97] : memref<4096x64xf32, #tpu.memory_space<hbm>> -> memref<128x64xf32, #tpu.memory_space<hbm>>
      %dma_start3A_99 = arith.constant 0 : i32
      %dma_start3A_100 = tpu.memref_slice %arg5[%mul3A_96, %dma_start3A_99] : memref<4096x64xf32, #tpu.memory_space<hbm>> -> memref<128x64xf32, #tpu.memory_space<hbm>>
      tpu.enqueue_dma source(%arg8 : memref<128x64xf32, #tpu.memory_space<vmem>>) target(%dma_start3A_100 : memref<128x64xf32, #tpu.memory_space<hbm>>) target_semaphore(%run_scoped3A : memref<!tpu.dma_semaphore, #tpu.memory_space<semaphore_mem>>)
      %dma_wait3A = arith.constant 0 : i32
      %dma_wait3A_101 = tpu.memref_slice %arg5[%mul3A_96, %dma_wait3A] : memref<4096x64xf32, #tpu.memory_space<hbm>> -> memref<128x64xf32, #tpu.memory_space<hbm>>
      %dma_wait3A_102 = arith.constant 0 : i32
      %dma_wait3A_103 = tpu.memref_slice %arg5[%mul3A_96, %dma_wait3A_102] : memref<4096x64xf32, #tpu.memory_space<hbm>> -> memref<128x64xf32, #tpu.memory_space<hbm>>
      tpu.wait_dma2 semaphore(%run_scoped3A : memref<!tpu.dma_semaphore, #tpu.memory_space<semaphore_mem>>) src(%arg8 : memref<128x64xf32, #tpu.memory_space<vmem>>) dst(%dma_wait3A_103 : memref<128x64xf32, #tpu.memory_space<hbm>>)
      tpu.yield
    }) : () -> ()
    return
  }
}

</mosaic_0001>

<sc_bundles>
// kernel: kernel.3.cloned.1.call-start
scs
__scs_entry_jumppad:
0x0: {  	(pc) =	sbr.rel $0x88, $3  }
0x1: {  	(tag) =	ssettag $0x0;
	lr =	simm.s32 $0x1  }
0x2: {  	[smem:$0x3F9D] =	sst lr;
	_ =	strace $0xD0000000  }
0x3: {  	_ = 	snop  }
0x4: {  	_ = 	snop  }
0x5: {  	_ = 	snop  }
0x6: {  	_ = 	snop  }
0x7: {  	_ = 	snop  }
__scs_overlays_trampoline_lowered:
0x8: {  	[smem:$0x3FAC] =	sst s0  }
0x9: {  	[smem:$0x3FAD] =	sst s1  }
0xa: {  	[smem:$0x3FAE] =	sst s2  }
0xb: {  	[smem:$0x3FAF] =	sst s3  }
0xc: {  	[smem:$0x3FB0] =	sst s4  }
0xd: {  	[smem:$0x3FB1] =	sst s5  }
0xe: {  	[smem:$0x3FB2] =	sst s6  }
0xf: {  	[smem:$0x3FB3] =	sst s7  }
0x10: {  	[smem:$0x3FB4] =	sst s8  }
0x11: {  	[smem:$0x3FB5] =	sst s9;
	s0 =	simm.s32 @!p0 $0x0  }
0x12: {  	s1 =	sld [smem:$0x3F9B];
	s0 =	simm.s32 @p0 $0x1  }
0x13: {  	[smem:$0x3FB6] =	sst s0;
	s0 =	simm.s32 @!p1 $0x0  }
0x14: {  	s2 =	sld [smem:$0x3F9A];
	s0 =	simm.s32 @p1 $0x1  }
0x15: {  	[smem:$0x3FB7] =	sst s0;
	s0 =	simm.s32 @!p2 $0x0  }
0x16: {  	s3 =	sld [smem:$0x3FDB];
	s0 =	simm.s32 @p2 $0x1  }
0x17: {  	s4 =	simm.s32 $0x1BF5;
	[smem:$0x3FB9] =	sst s0  }
0x18: {  	s0 =	sld [smem:$0x3F9C];
	_ =	swait.ge [sflag:s4], $0x0  }
0x19: {  	s7 =	sld [smem:$0x3F9D]  }
0x1a: {  	s8 =	sadd.s32 $0xFFFFE003, lr  }
0x1b: {  	s9 =	sadd.s32 $0xFFFFFEF7, lr;
	s5 =	simm.s32 $0xFFFFFFFF;
	p2 =	slt.u32 s8, $0xFFFFF086  }
0x1c: {  	p1 =	slt.u32 s9, $0xF7A;
	s5 =	simm.s32 @!p2 $0x0  }
0x1d: {  	s5 =	simm.s32 @p1 $0x1;
	p0 =	seq.s32 s7, s2  }
0x1e: {  	s7 =	smul.u32 @!p0 $0xF7A, s2;
	p2 =	seq.s32 @!p0 s5, $0x0  }
0x1f: {  	s9 =	smul.u32 $0xF7A, s1;
	s8 =	simm.s32 @!p0 $0x1BF5;
	p2 =	por !p2, p0  }
0x20: {  	[sflag:s8] =	ssyncset.s32 @!p0 $0xFFFFF086;
	s6 =	sadd.s32 @!p0 s3, s7;
	s7 =	simm.s32 @!p0 $0x108  }
0x21: {  	s3 =	sadd.s32 s3, s9;
	s6 =	sadd.s32 @!p0 $0x88, s6;
	s7 =	simm.s32 @p2 $0x1082  }
0x22: {  	[simem:s7], [sflag:s8] =	dma.local @!p0 [hbm:s6], $0xF7A  }
0x23: {  	s9 =	sor.u32 $0xD0000000, s2;
	s6 =	simm.s32 $0x108;
	_ =	swait.ge @!p0 [sflag:s8], $0x0  }
0x24: {  	s3 =	sadd.s32 $0x88, s3;
	s6 =	simm.s32 @!p1 $0x1082;
	[sflag:s4] =	ssyncset.s32 $0xFFFFF086  }
0x25: {  	[simem:s6], [sflag:s4] =	dma.local [hbm:s3], $0xF7A  }
0x26: {  	[smem:$0x3F9D] =	sst s1;
	(tag) =	ssettag s2;
	_ =	strace s9  }
0x27: {  	s1 =	sld [smem:$0x3FAD]  }
0x28: {  	s2 =	sld [smem:$0x3FAE]  }
0x29: {  	s4 =	sld [smem:$0x3FB0]  }
0x2a: {  	p0 =	seq.s32 s5, $0x0;
	s5 =	sld [smem:$0x3FB1]  }
0x2b: {  	s6 =	sld [smem:$0x3FB2]  }
0x2c: {  	s7 =	sld [smem:$0x3FB3]  }
0x2d: {  	s3 =	simm.s32 $0x108;
	s8 =	sld [smem:$0x3FB4]  }
0x2e: {  	s3 =	simm.s32 @!p0 $0x1082;
	s9 =	sld [smem:$0x3FB5]  }
0x2f: {  	lr =	sadd.s32 s0, s3;
	s0 =	sld [smem:$0x3FAC]  }
0x30: {  	s3 =	sld [smem:$0x3FAF]  }
0x31: {  	[smem:$0x3FB8] =	sst s10  }
0x32: {  	s10 =	sld [smem:$0x3FB6];
	_ =	sdelay $0x3  }
0x33: {  	p0 =	seq.s32 s10, $0x1;
	s10 =	sld [smem:$0x3FB8];
	_ =	sdelay $0x3  }
0x34: {  	[smem:$0x3FB8] =	sst s10  }
0x35: {  	s10 =	sld [smem:$0x3FB7];
	_ =	sdelay $0x3  }
0x36: {  	p1 =	seq.s32 s10, $0x1;
	s10 =	sld [smem:$0x3FB8];
	_ =	sdelay $0x3  }
0x37: {  	[smem:$0x3FB8] =	sst s10  }
0x38: {  	s10 =	sld [smem:$0x3FB9]  }
0x39: {  	_ = 	snop;
	(pc) =	sbr.ind lr, $3  }
0x3a: {  	_ = 	snop  }
0x3b: {  	_ = 	snop  }
0x3c: {  	p2 =	seq.s32 s10, $0x1;
	s10 =	sld [smem:$0x3FB8]  }
0x3d: {  	_ =	shalt  }
0x3e: {  	_ =	shalt  }
0x3f: {  	_ =	shalt  }
0x40: {  	_ =	shalt  }
0x41: {  	_ =	shalt  }
0x42: {  	_ =	shalt  }
0x43: {  	_ =	shalt  }
0x44: {  	_ =	shalt  }
0x45: {  	_ =	shalt  }
0x46: {  	_ =	shalt  }
0x47: {  	_ =	shalt  }
0x48: {  	_ =	shalt  }
0x49: {  	_ =	shalt  }
0x4a: {  	_ =	shalt  }
0x4b: {  	_ =	shalt  }
0x4c: {  	_ =	shalt  }
0x4d: {  	_ =	shalt  }
0x4e: {  	_ =	shalt  }
0x4f: {  	_ =	shalt  }
0x50: {  	_ =	shalt  }
0x51: {  	_ =	shalt  }
0x52: {  	_ =	shalt  }
0x53: {  	_ =	shalt  }
0x54: {  	_ =	shalt  }
0x55: {  	_ =	shalt  }
0x56: {  	_ =	shalt  }
0x57: {  	_ =	shalt  }
0x58: {  	_ =	shalt  }
0x59: {  	_ =	shalt  }
0x5a: {  	_ =	shalt  }
0x5b: {  	_ =	shalt  }
0x5c: {  	_ =	shalt  }
0x5d: {  	_ =	shalt  }
0x5e: {  	_ =	shalt  }
0x5f: {  	_ =	shalt  }
0x60: {  	_ =	shalt  }
0x61: {  	_ =	shalt  }
0x62: {  	_ =	shalt  }
0x63: {  	_ =	shalt  }
0x64: {  	_ =	shalt  }
0x65: {  	_ =	shalt  }
0x66: {  	_ =	shalt  }
0x67: {  	_ =	shalt  }
0x68: {  	_ =	shalt  }
0x69: {  	_ =	shalt  }
0x6a: {  	_ =	shalt  }
0x6b: {  	_ =	shalt  }
0x6c: {  	_ =	shalt  }
0x6d: {  	_ =	shalt  }
0x6e: {  	_ =	shalt  }
0x6f: {  	_ =	shalt  }
0x70: {  	_ =	shalt  }
0x71: {  	_ =	shalt  }
0x72: {  	_ =	shalt  }
0x73: {  	_ =	shalt  }
0x74: {  	_ =	shalt  }
0x75: {  	_ =	shalt  }
0x76: {  	_ =	shalt  }
0x77: {  	_ =	shalt  }
0x78: {  	_ =	shalt  }
0x79: {  	_ =	shalt  }
0x7a: {  	_ =	shalt  }
0x7b: {  	_ =	shalt  }
0x7c: {  	_ =	shalt  }
0x7d: {  	_ =	shalt  }
0x7e: {  	_ =	shalt  }
0x7f: {  	_ =	shalt  }
0x80: {  	_ =	shalt  }
0x81: {  	_ =	shalt  }
0x82: {  	_ =	shalt  }
0x83: {  	_ =	shalt  }
0x84: {  	_ =	shalt  }
0x85: {  	_ =	shalt  }
0x86: {  	_ =	shalt  }
0x87: {  	_ =	shalt  }
.Lfunc_end0:
.L_simem_size_0:
called_computation_lowered:
.L_overlay_start_0:
0x88: {  	s2 =	sld [smem:$0x3FD9]  }
0x89: {  	s3 =	sld [smem:$0x3FFE];
	_ =	sdelay $0x1  }
0x8a: {  	s1 =	srdreg.scid  }
0x8b: {  	s0 =	sand.u32 $0x1, s1  }
0x8c: {  	s17 =	sshll.u32 s0, $0xA;
	s2 =	sadd.s32 s3, s2  }
0x8d: {  	s2 =	sadd.s32 s2, s17  }
0x8e: {  	[smem:$0x3FC4] =	sst s2  }
0x8f: {  	_ = 	snop  }
0x90: {  	s2 =	sld [smem:$0x3FD0];
	(tm) =	ssettm $0x1  }
0x91: {  	s18 =	sld [smem:$0x3FFB];
	_ =	sdelay $0x3  }
0x92: {  	_ =	strace s18  }
0x93: {  	s3 =	sld [smem:$0x3FFC];
	_ =	sdelay $0x3  }
0x94: {  	_ =	strace s3  }
0x95: {  	s3 =	sld [smem:$0x3FFD];
	_ =	sdelay $0x3  }
0x96: {  	_ =	strace s3  }
0x97: {  	_ =	strace $0x8FFFFFFF  }
0x98: {  	s19 =	sld [smem:$0x3FDB];
	_ =	sdelay $0x1  }
0x99: {  	s4 =	simm.s32 $_scs_section_size  }
0x9a: {  	s5 =	simm.s32 $_size__tile_overlayer_lowered;
	s6 =	simm.s32 $_tile_overlayer_lowered  }
0x9b: {  	s22 =	simm.s32 $0x1BFF;
	s21 =	sshll.u32 s6, $0x1;
	s3 =	sadd.s32 s4, s19  }
0x9c: {  	s7 =	simm.s32 $0x0;
	s20 =	sshll.u32 s5, $0x1;
	s5 =	sadd.s32 s21, s3  }
0x9d: {  	[timem:s7], [sflag:s22] =	dma.local [hbm:s5], s20  }
0x9e: {  	_ =	swait.ge [sflag:s22], s20  }
0x9f: {  	s4 =	ssub.s32 $0x0, s20;
	[sflag:s22] =	ssyncset.done $0x0  }
0xa0: {  	[sflag:s22] =	ssyncadd.s32 s4;
	_ =	sdelay $0x1  }
0xa1: {  	s23 =	simm.s32 $0x1B8B  }
0xa2: {  	_ =	swait.ge [sflag:s23], $0x1  }
0xa3: {  	[sflag:s23] =	ssyncset.done $0x0  }
0xa4: {  	s25 =	simm.s32 $0x1B8E;
	s24 =	sld [smem:$0x3FFE];
	[sflag:s23] =	ssyncadd.s32 $0xFFFFFFFF  }
0xa5: {  	s26 =	simm.s32 $execute0_lowered;
	[smem:$0x3FD2] =	sst s25  }
0xa6: {  	s5 =	sshll.u32 s26, $0x1;
	_ =	strace $0x80000046;
	[dreg:$0x1] =	wrdreg $0xFFFFFFFF  }
0xa7: {  	s28 =	simm.s32 $_size_execute0_lowered;
	s3 =	sadd.s32 s3, s5;
	[dreg:$0x0] =	wrdreg $0x0  }
0xa8: {  	s5 =	sshll.u32 s28, $0x1;
	[dreg:$0x2] =	wrdreg s3  }
0xa9: {  	[dreg:$0x3] =	wrdreg s5  }
0xaa: {  	[dreg:$0x4] =	wrdreg $0xC0  }
0xab: {  	_ =	task [dreg:s7], $0x5FFFF  }
0xac: {  	[dreg:$0x1] =	wrdreg $0xFFFFFFFF  }
0xad: {  	[dreg:$0x0] =	wrdreg $0x60  }
0xae: {  	[dreg:$0x2] =	wrdreg s24  }
0xaf: {  	[dreg:$0x3] =	wrdreg s2  }
0xb0: {  	[dreg:$0x4] =	wrdreg $0x9  }
0xb1: {  	_ =	task.clear_ibuf [dreg:s7], $0x5FFFF;
	_ =	strace $0x90000046  }
0xb2: {  	s29 =	simm.s32 $0x9;
	_ =	strace $0x80000048  }
0xb3: {  	_ =	swait.ge [sflag:s29], $0x1  }
0xb4: {  	[sflag:s29] =	ssyncadd.s32 $0xFFFFFFFF  }
0xb5: {  	_ =	strace $0x90000048  }
0xb6: {  	_ =	sfence  }
0xb7: {  	s30 =	sld [smem:$0x0];
	_ =	sdelay $0x2  }
0xb8: {  	s31 =	sshll.u32 s1, $0xD;
	s1 =	sshrl.u32 s1, $0x2  }
0xb9: {  	s3 =	sand.u32 $0x4000, s31;
	s1 =	sadd.s32 s1, s30  }
0xba: {  	s0 =	sor.u32 s3, s0;
	s1 =	sshll.u32 s1, $0x11  }
0xbb: {  	s0 =	sor.u32 s1, s0  }
0xbc: {  	s0 =	sadd.s32 $0x8F2B, s0  }
0xbd: {  	[sflag:s0] =	ssyncadd.remote.s32 $0x1  }
0xbe: {  	_ =	sfence.sel $0xFFFF  }
0xbf: {  	[dreg:$0x0] =	wrdreg $0xFFFFFFFF;
	(pc) =	sbr.abs _section_cstart, $3  }
0xc0: {  	[dreg:$0x1] =	wrdreg $0xFFFFFFFF  }
0xc1: {  	_ =	task.clear_ibuf [dreg:s7], $0x2FFFF;
	_ =	strace $0x9FFFFFFF  }
0xc2: {  	(tm) =	ssettm $0x7FFFFFFF  }
0xc3: {  	_ =	shalt  }
tec
execute0_lowered:
.L_overlay_start_1:
0x0: {  	(tag) =	ssettag $0x1  }
0x1: {  	v0 =	vimm.s32 $0xFEDCBA98  }
0x2: {  	s1 =	srdreg.scid;
	s4 =	rddreg [dreg:$0x0];
	v1 =	vimm.s32 $0x76543210;
	v2 =	vimm.s32 $0xBA98FEDC;
	v3 =	vimm.s32 $0x32107654  }
0x3: {  	s0 =	stileid.u32;
	s6 =	rddreg [dreg:$0x1];
	v4 =	vimm.s32 $0x98FEDCBA;
	v5 =	vimm.s32 $0x10765432;
	v6 =	vimm.s32 $0x8FEDCBA9  }
0x4: {  	s2 =	simm.s32 $0x0;
	v7 =	vimm.s32 $0x7654321;
	s10 =	simm.s32 $0x80;
	s11 =	simm.s32 $0x6400;
	v2 =	vunpack.c.l.s4.s8 v2;
	v3 =	vunpack.c.l.s4.s8 v3  }
0x5: {  	s12 =	simm.s32 $0x48;
	s13 =	simm.s32 $0x8400;
	s14 =	simm.s32 $0x1;
	v4 =	vunpack.c.l.s4.s8 v4;
	v5 =	vunpack.c.l.s4.s8 v5;
	v6 =	vunpack.c.l.s4.s8 v6  }
0x6: {  	s15 =	simm.s32 $0x9600;
	s16 =	simm.s32 $0xB600;
	s17 =	simm.s32 $0xC800;
	v7 =	vunpack.c.l.s4.s8 v7;
	v2 =	vunpack.c.0.s8.s32 v2;
	v3 =	vunpack.c.0.s8.s32 v3  }
0x7: {  	s18 =	simm.s32 $0x0;
	v0 =	vunpack.c.l.s4.s8 v0;
	s5 =	sand.u32 $0x1, s1;
	s3 =	sshll.u32 s0, $0x8;
	v4 =	vunpack.c.0.s8.s32 v4;
	v5 =	vunpack.c.0.s8.s32 v5  }
0x8: {  	s1 =	rddreg [dreg:$0x2];
	s7 =	sshll.u32 s5, $0x7;
	s5 =	ssub.s32 $0x2, s5;
	v6 =	vunpack.c.0.s8.s32 v6;
	v7 =	vunpack.c.0.s8.s32 v7;
	v2 =	vcombine.low v3, v2  }
0x9: {  	v1 =	vunpack.c.l.s4.s8 v1;
	[smem:$0x7FF] =	sst s2;
	s7 =	sor.u32 s7, s3;
	s9 =	sshrl.u32 s5, $0x1;
	v62 =	vcombine.low v5, v4  }
0xa: {  	v0 =	vunpack.c.0.s8.s32 v0;
	s3 =	smul.u32 $0x19, s7;
	s7 =	sshll.u32 s7, $0x3;
	s9 =	ssub.s32 s5, s9;
	v63 =	vcombine.low v7, v6;
	v18 =	vand.u32 $0xF, v2  }
0xb: {  	_ =	strace $0x80000047;
	v1 =	vunpack.c.0.s8.s32 v1;
	s6 =	sadd.s32 s6, s7;
	s7 =	smax.u32 s9, $0x1;
	v19 =	vand.u32 $0xF, v62;
	[tilespmem:$0x1FFD0] =	vst v18  }
0xc: {  	s9 =	simm.s32 $0xE800;
	v0 =	vand.u32 $0xF, v0;
	s8 =	sadd.s32 s3, s4;
	s3 =	sadd.s32 $0xF42E00, s4;
	v54 =	vand.u32 $0xF, v63;
	[tilespmem:$0x1FFE0] =	vst v19  }
0xd: {  	vm0 =	vmmov $0xff;
	s4 =	sadd.s32 $0x19A00, s4;
	v56 =	vcombine.low v0, v1;
	s5 =	sadd.s32 $0xA00, s8;
	s8 =	simm.s32 $0x2;
	[tilespmem:$0x1FFF0] =	vst v54  }
.LBB2_1:
0xe: {  	[tilespmem:s2], [sflag:$0x2] =	stream.linear.gather [hbm4b:s5+s2], $0x6400, $0x38;
	[tilespmem:$0xE880] =	vst v63  }
0xf: {  	_ =	swait.ge [sflag:s8], $0x6400  }
0x10: {  	[sflag:s8] =	ssyncset.done $0x0  }
0x11: {  	[sflag:s8] =	ssyncadd.s32 $0xFFFF9C00  }
0x12: {  	[tilespmem:s9], [sflag:$0x2] =	stream.linear.gather [hbm4b:s4+s2], $0x80, $0x38;
	[tilespmem:$0xE880] =	vst v63  }
0x13: {  	_ =	swait.ge [sflag:s8], $0x80  }
0x14: {  	[sflag:s8] =	ssyncset.done $0x0  }
0x15: {  	[sflag:s8] =	ssyncadd.s32 $0xFFFFFF80  }
0x16: {  	v1 =	vld [tilespmem:$0xE800]  }
0x17: {  	v57 =	vld [tilespmem:$0xE810]  }
0x18: {  	v58 =	vld [tilespmem:$0xE820]  }
0x19: {  	v59 =	vld [tilespmem:$0xE830]  }
0x1a: {  	v60 =	vld [tilespmem:$0xE840]  }
0x1b: {  	v61 =	vld [tilespmem:$0xE850]  }
0x1c: {  	v62 =	vld [tilespmem:$0xE860]  }
0x1d: {  	v63 =	vld [tilespmem:$0xE870];
	[tilespmem:s11], [sflag:$0x1] =	stream.indirect.gather [hbm4b:s3+s10], $0x40, s2, s10, $0xb8  }
0x1e: {  	_ = 	snop  }
0x1f: {  	[tilespmem:s13], [sflag:$0x1] =	stream.indirect.gather [hbm4b:s3+s12], $0x40, s10, s12, $0xb8;
	[tilespmem:$0xE880] =	vst v63  }
0x20: {  	[tilespmem:$0x1FF50] =	vst v1  }
0x21: {  	[tilespmem:$0x1FF60] =	vst v57  }
0x22: {  	[tilespmem:$0x1FF70] =	vst v58  }
0x23: {  	[tilespmem:$0x1FF80] =	vst v59  }
0x24: {  	[tilespmem:$0x1FF90] =	vst v60  }
0x25: {  	[tilespmem:$0x1FFA0] =	vst v61  }
0x26: {  	[tilespmem:$0x1FFB0] =	vst v62  }
0x27: {  	s19 =	simm.s32 $0x0;
	[tilespmem:$0x1FFC0] =	vst v63  }
.LBB2_2:
0x28: {  	_ =	swait.ge [sflag:s14], $0x2000  }
0x29: {  	[sflag:s14] =	ssyncset.done $0x0  }
0x2a: {  	s20 =	sshllo.u32 s19, $0x1;
	[sflag:s14] =	ssyncadd.s32 $0xFFFFE000  }
0x2b: {  	s21 =	smul.u32 $0x320, s20;
	_ =	swait.ge [sflag:s14], $0x1200  }
0x2c: {  	[sflag:s14] =	ssyncset.done $0x0  }
0x2d: {  	s21 =	sshra.s32 s21, $0x2;
	[sflag:s14] =	ssyncadd.s32 $0xFFFFEE00  }
0x2e: {  	[tilespmem:s15], [sflag:$0x1] =	stream.indirect.gather [hbm4b:s3+s10], $0x40, s21, s10, $0xb8;
	[tilespmem:$0xE880] =	vst v63  }
0x2f: {  	s31 =	simm.s32 $0x6480;
	s21 =	sadd.s32 $0x80, s21  }
0x30: {  	[tilespmem:s16], [sflag:$0x1] =	stream.indirect.gather [hbm4b:s3+s12], $0x40, s21, s12, $0xb8;
	[tilespmem:$0xE880] =	vst v63  }
0x31: {  	v0 =	vld [tilespmem:s31+$0x40]  }
0x32: {  	v4 =	vld [tilespmem:s31+$0x50]  }
0x33: {  	v5 =	vld [tilespmem:s31+$0x60]  }
0x34: {  	v29 =	vld [tilespmem:s31+$0x70]  }
0x35: {  	v1 =	vld [tilespmem:s31+$0x0]  }
0x36: {  	v61 =	vld [tilespmem:s31+$0x10]  }
0x37: {  	v2 =	vld [tilespmem:s31+$0x20]  }
0x38: {  	v21 =	vld [tilespmem:s31+$0x30]  }
0x39: {  	v6 =	vld [tilespmem:s31+$0xFFFFFFC0]  }
0x3a: {  	v24 =	vld [tilespmem:s31+$0xFFFFFFD0]  }
0x3b: {  	v26 =	vld [tilespmem:s31+$0xFFFFFFE0]  }
0x3c: {  	v22 =	vld [tilespmem:s31+$0xFFFFFFF0]  }
0x3d: {  	v3 =	vld [tilespmem:s31+$0xFFFFFF80]  }
0x3e: {  	v25 =	vld [tilespmem:s31+$0xFFFFFF90]  }
0x3f: {  	v17 =	vld [tilespmem:s31+$0xFFFFFFA0];
	v30 =	vmul.f32 v0, v0  }
0x40: {  	v20 =	vimm.f32 $0.0e+00;
	v27 =	vld [tilespmem:s31+$0xFFFFFFB0];
	v31 =	vmul.f32 v4, v4;
	v32 =	vmul.f32 v5, v5  }
0x41: {  	v33 =	vmul.f32 v29, v29;
	v34 =	vmul.f32 v1, v1;
	v36 =	vadd.f32 v4, v0  }
0x42: {  	v35 =	vmul.f32 v61, v61;
	v37 =	vadd.f32 v29, v5;
	v39 =	vadd.f32 v61, v1  }
0x43: {  	v38 =	vmul.f32 v2, v2;
	v40 =	vadd.f32 v21, v2;
	v42 =	vadd.f32 v24, v6  }
0x44: {  	v41 =	vmul.f32 v21, v21;
	v43 =	vadd.f32 v22, v26;
	v44 =	vadd.f32 v25, v3  }
0x45: {  	v45 =	vmul.f32 v6, v6;
	v46 =	vadd.f32 v27, v17;
	v47 =	vmul.f32 v24, v24  }
0x46: {  	v48 =	vmul.f32 v26, v26;
	v11 =	vmul.f32 v22, v22;
	v40 =	vadd.f32 v40, v39  }
0x47: {  	v13 =	vmul.f32 v25, v25;
	v49 =	vadd.f32 v37, v36;
	v31 =	vadd.f32 v31, v30  }
0x48: {  	v14 =	vmul.f32 v17, v17;
	v32 =	vadd.f32 v33, v32;
	v12 =	vadd.f32 v43, v42  }
0x49: {  	v50 =	vmul.f32 v27, v27;
	v34 =	vadd.f32 v35, v34;
	v38 =	vadd.f32 v41, v38  }
0x4a: {  	v30 =	vmul.f32 v3, v3;
	v35 =	vadd.f32 v46, v44;
	v51 =	vadd.f32 v47, v45  }
0x4b: {  	v28 =	vimm.f32 $0.0e+00;
	v53 =	vadd.f32 v11, v48;
	v37 =	vadd.f32 v50, v14  }
0x4c: {  	v33 =	vimm.f32 $0.0e+00;
	v52 =	vadd.f32 v13, v30;
	v31 =	vadd.f32 v32, v31  }
0x4d: {  	v55 =	vperm.xlane v49, v56;
	v57 =	vperm.xlane v12, v56;
	v34 =	vadd.f32 v38, v34  }
0x4e: {  	v58 =	vperm.xlane v40, v56;
	v36 =	vadd.f32 v53, v51;
	v38 =	vperm.xlane v35, v56  }
0x4f: {  	v23 =	vmovc v0;
	[tilespmem:$0x1FF10] =	vst v1;
	v32 =	vimm.f32 $0.0e+00;
	v59 =	vperm.xlane v31, v56;
	v37 =	vadd.f32 v37, v52  }
0x50: {  	[tilespmem:$0x1FF20] =	vst v2;
	v63 =	vperm.xlane v34, v56;
	v39 =	vadd.f32 v49, v55;
	v40 =	vadd.f32 v40, v58  }
0x51: {  	[tilespmem:$0x1FF30] =	vst v6;
	v42 =	vperm.xlane v36, v56;
	v44 =	vadd.f32 v12, v57;
	v43 =	vadd.f32 v31, v59  }
0x52: {  	s22 =	simm.s32 $0x6580;
	s21 =	simm.s32 $0x0;
	v60 =	vmovc v4;
	v62 =	vmovc v5;
	[tilespmem:$0x1FF40] =	vst v3;
	v45 =	vperm.xlane v37, v56;
	v46 =	vadd.f32 v34, v63;
	v34 =	vimm.f32 $0.0e+00  }
.LBB2_3:
0x53: {  	_ =	sdelay $0x1  }
0x54: {  	v38 =	vadd.f32 v35, v38;
	v1 =	vadd.f32 v36, v42;
	v2 =	vsel vm0, v39, v43  }
0x55: {  	v37 =	vadd.f32 v37, v45;
	v3 =	vsel vm0, v40, v46;
	v4 =	vperm.xlane v2, v18  }
0x56: {  	v5 =	vsel vm0, v44, v1;
	v6 =	vperm.xlane v3, v18  }
0x57: {  	v41 =	vld [tilespmem:s22+$0x40];
	v37 =	vsel vm0, v38, v37;
	v7 =	vperm.xlane v5, v18;
	v36 =	vadd.f32 v2, v4  }
0x58: {  	v42 =	vld [tilespmem:s22+$0x50];
	v8 =	vperm.xlane v37, v18;
	v39 =	vadd.f32 v3, v6  }
0x59: {  	v43 =	vld [tilespmem:s22+$0x60];
	v38 =	vadd.f32 v5, v7;
	v47 =	vperm.xlane v36, v19  }
0x5a: {  	v35 =	vld [tilespmem:s22+$0x70];
	v48 =	vadd.f32 v37, v8;
	v9 =	vperm.xlane v39, v19  }
0x5b: {  	v13 =	vimm.s32 $0x8;
	v1 =	vld [tilespmem:$0x1FFF0];
	v49 =	vperm.xlane v38, v19;
	v47 =	vadd.f32 v36, v47  }
0x5c: {  	v44 =	vld [tilespmem:s22+$0x10];
	v51 =	vmul.f32 v41, v41;
	v50 =	vperm.xlane v48, v19;
	v53 =	vadd.f32 v39, v9  }
0x5d: {  	[tilespmem:$0x1FEE0] =	vst v22;
	v22 =	vmul.f32 v42, v42;
	v49 =	vadd.f32 v38, v49;
	v10 =	vperm.xlane v47, v54  }
0x5e: {  	v52 =	vmul.f32 v43, v43;
	v48 =	vadd.f32 v48, v50;
	v11 =	vperm.xlane v53, v54  }
0x5f: {  	v55 =	vmul.f32 v35, v35;
	v12 =	vperm.xlane v49, v54;
	v47 =	vadd.f32 v47, v10  }
0x60: {  	v2 =	vimm.s32 $0x0;
	v57 =	vperm.xlane v48, v1;
	v50 =	vadd.f32 v53, v11  }
0x61: {  	v37 =	vmul.f32 v44, v44;
	v49 =	vadd.f32 v49, v12;
	v58 =	vperm.xlane v47, v2  }
0x62: {  	v48 =	vadd.f32 v48, v57;
	v59 =	vperm.xlane v47, v13;
	v14 =	vperm.xlane v50, v2  }
0x63: {  	v0 =	vperm.xlane v50, v13;
	v63 =	vperm.xlane v49, v2  }
0x64: {  	v6 =	vperm.xlane v49, v13;
	v8 =	vperm.xlane v48, v2  }
0x65: {  	v9 =	vperm.xlane v48, v13;
	v50 =	vmul.f32 $1.562500000e-02, v58  }
0x66: {  	v1 =	vmul.f32 $1.562500000e-02, v59;
	v59 =	vmul.f32 $1.562500000e-02, v14  }
0x67: {  	[tilespmem:$0x1FED0] =	vst v62;
	v46 =	vld [tilespmem:s22+$0x0];
	v62 =	vadd.f32 v42, v41;
	v8 =	vmul.f32 $1.562500000e-02, v8;
	v9 =	vmul.f32 $1.562500000e-02, v9  }
0x68: {  	v45 =	vld [tilespmem:s22+$0x20];
	v7 =	vadd.f32 v35, v43;
	v2 =	vmul.f32 $1.562500000e-02, v0;
	v63 =	vmul.f32 $1.562500000e-02, v63  }
0x69: {  	v6 =	vmul.f32 $1.562500000e-02, v6;
	v9 =	vadd.f32 $9.999999740e-06, v9;
	v13 =	vmul.f32 v8, v8  }
0x6a: {  	v4 =	vadd.f32 $9.999999740e-06, v1;
	v5 =	vadd.f32 $9.999999740e-06, v2;
	v2 =	vmul.f32 v50, v50  }
0x6b: {  	v7 =	vadd.f32 v7, v62;
	v1 =	vmul.f32 v59, v59;
	v6 =	vadd.f32 $9.999999740e-06, v6  }
0x6c: {  	v9 =	vsub.f32 v9, v13;
	v13 =	vmul.f32 v63, v63;
	v2 =	vsub.f32 v4, v2  }
0x6d: {  	v36 =	vmul.f32 v46, v46;
	v38 =	vmul.f32 v45, v45;
	v1 =	vsub.f32 v5, v1  }
0x6e: {  	v31 =	vmovc v24;
	v24 =	vmovc v60;
	v60 =	vld [tilespmem:s22+$0xFFFFFFC0];
	v14 =	vshra.s32 v9, $0x1;
	v6 =	vsub.f32 v6, v13;
	v13 =	vshra.s32 v2, $0x1  }
0x6f: {  	v40 =	vld [tilespmem:s22+$0x30];
	v2 =	vmul.f32 $5.000000000e-01, v2;
	v9 =	vmul.f32 $5.000000000e-01, v9;
	v4 =	vsub.s32 $0x5F3759DF, v14  }
0x70: {  	v3 =	vld [tilespmem:s22+$0xFFFFFFB0];
	v13 =	vsub.s32 $0x5F3759DF, v13;
	v14 =	vmul.f32 v4, v4;
	v15 =	vshra.s32 v6, $0x1  }
0x71: {  	[tilespmem:$0x1FF00] =	vst v29;
	v29 =	vmovc v17;
	v62 =	vld [tilespmem:$0x1FF30];
	v6 =	vmul.f32 $5.000000000e-01, v6;
	v17 =	vmul.f32 v13, v13;
	v15 =	vsub.s32 $0x5F3759DF, v15  }
0x72: {  	v54 =	vld [tilespmem:s22+$0xFFFFFFE0];
	v16 =	vshra.s32 v1, $0x1;
	v9 =	vmul.f32 v14, v9;
	v14 =	vmul.f32 v15, v15  }
0x73: {  	v53 =	vld [tilespmem:s22+$0xFFFFFFD0];
	v1 =	vmul.f32 $5.000000000e-01, v1;
	v16 =	vsub.s32 $0x5F3759DF, v16;
	v2 =	vmul.f32 v17, v2  }
0x74: {  	v17 =	vld [tilespmem:$0x1FF40];
	v6 =	vmul.f32 v14, v6;
	v14 =	vmul.f32 v16, v16  }
0x75: {  	v39 =	vmul.f32 v40, v40;
	v10 =	vadd.f32 v44, v46;
	v47 =	vld [tilespmem:s22+$0xFFFFFFF0];
	v9 =	vsub.f32 $1.500000000e+00, v9  }
0x76: {  	v11 =	vadd.f32 v40, v45;
	v48 =	vld [tilespmem:s22+$0xFFFFFF80];
	v2 =	vsub.f32 $1.500000000e+00, v2;
	v1 =	vmul.f32 v14, v1  }
0x77: {  	v57 =	vmul.f32 v60, v60;
	v49 =	vld [tilespmem:s22+$0xFFFFFF90];
	v4 =	vmul.f32 v4, v9  }
0x78: {  	v10 =	vadd.f32 v11, v10;
	v5 =	vld [tilespmem:s22+$0xFFFFFFA0];
	v2 =	vmul.f32 v13, v2;
	v1 =	vsub.f32 $1.500000000e+00, v1  }
0x79: {  	v30 =	vmovc v61;
	v61 =	vadd.f32 v53, v60;
	v6 =	vsub.f32 $1.500000000e+00, v6;
	v17 =	vmul.f32 v4, v17  }
0x7a: {  	v12 =	vadd.f32 v47, v54;
	v1 =	vmul.f32 v16, v1;
	v16 =	vmul.f32 v2, v23;
	v23 =	vmovc v41;
	v41 =	vld [tilespmem:$0x1FF10]  }
0x7b: {  	v19 =	vmul.f32 v53, v53;
	v6 =	vmul.f32 v15, v6;
	v11 =	vadd.f32 v17, v20;
	v20 =	vld [tilespmem:$0x1FED0]  }
0x7c: {  	[tilespmem:$0x1FEF0] =	vst v21;
	v58 =	vadd.f32 v49, v48;
	v12 =	vadd.f32 v12, v61;
	v9 =	vmul.f32 v54, v54  }
0x7d: {  	v18 =	vadd.f32 v3, v5;
	v14 =	vmul.f32 v47, v47;
	v15 =	vmovc v60;
	v13 =	vmul.f32 v6, v62  }
0x7e: {  	v61 =	vmovc v44;
	v60 =	vmov v42;
	[tilespmem:$0x1FF30] =	vst v15;
	v15 =	vadd.f32 v22, v51;
	v22 =	vmul.f32 v4, v27  }
0x7f: {  	v42 =	vadd.f32 v55, v52;
	v17 =	vmul.f32 v2, v24;
	v62 =	vmovc v43;
	v43 =	vmul.f32 v6, v31  }
0x80: {  	v44 =	vmovc v45;
	v11 =	vadd.f32 v13, v11;
	v21 =	vmul.f32 v1, v41;
	v41 =	vmul.f32 v2, v20;
	v20 =	vld [tilespmem:$0x1FF20]  }
0x81: {  	v55 =	vmul.f32 v6, v26;
	v13 =	vmov v46;
	v46 =	vmul.f32 v4, v25;
	[tilespmem:$0x1FF20] =	vst v44;
	v44 =	vld [tilespmem:$0x1FF00]  }
0x82: {  	v24 =	vmovc v53;
	v53 =	vadd.f32 v42, v15;
	v11 =	vadd.f32 v21, v11;
	v21 =	vmul.f32 v4, v29  }
0x83: {  	v0 =	vmovc v28;
	v51 =	vmul.f32 v1, v30;
	v45 =	vadd.f32 v46, v34;
	v34 =	vld [tilespmem:$0x1FEF0];
	v4 =	vmul.f32 v4, v8  }
0x84: {  	v29 =	vmovc v35;
	v35 =	vadd.f32 v18, v58;
	v58 =	vperm.xlane v10, v56;
	v46 =	vadd.f32 v21, v32;
	v32 =	vld [tilespmem:$0x1FEE0]  }
0x85: {  	v8 =	vadd.f32 v43, v45;
	v4 =	vadd.f32 v4, v0;
	v52 =	vmul.f32 v1, v20  }
0x86: {  	v25 =	vmovc v49;
	v20 =	vadd.f32 v16, v11;
	v16 =	vadd.f32 v22, v33;
	v45 =	vmul.f32 v2, v44  }
0x87: {  	v22 =	vmovc v47;
	v2 =	vmul.f32 v2, v50;
	v47 =	vmul.f32 v49, v25;
	v49 =	vadd.f32 v37, v36  }
0x88: {  	[tilespmem:$0x1FF10] =	vst v13;
	v50 =	vadd.f32 v39, v38;
	v11 =	vadd.f32 v55, v46;
	v27 =	vmul.f32 v1, v34  }
0x89: {  	v21 =	vmovc v40;
	v40 =	vadd.f32 v51, v8;
	v13 =	vmul.f32 v6, v32;
	v6 =	vmul.f32 v6, v63  }
0x8a: {  	v28 =	vmovc v48;
	v1 =	vmul.f32 v1, v59;
	v51 =	vadd.f32 v19, v57;
	v43 =	vadd.f32 v52, v11  }
0x8b: {  	v46 =	vmul.f32 v48, v28;
	v13 =	vadd.f32 v13, v16;
	v4 =	vadd.f32 v6, v4  }
0x8c: {  	v55 =	vperm.xlane v7, v56;
	v34 =	vadd.f32 v17, v40;
	v52 =	vadd.f32 v14, v9  }
0x8d: {  	v17 =	vmovc v5;
	v13 =	vadd.f32 v27, v13;
	v1 =	vadd.f32 v1, v4;
	v27 =	vmov v3  }
0x8e: {  	s21 =	sadd.s32 $0x4, s21;
	v39 =	vadd.f32 v7, v55;
	v48 =	vmul.f32 v5, v17;
	v3 =	vmul.f32 v3, v27  }
0x8f: {  	p0 =	slt.u32 s21, $0xC4;
	[tilespmem:$0x1FF40] =	vst v28;
	v38 =	vperm.xlane v35, v56;
	v4 =	vadd.f32 v47, v46;
	v28 =	vadd.f32 v2, v1  }
.Ltmp0:
0x90: {  	v57 =	vperm.xlane v12, v56;
	v2 =	vadd.f32 v50, v49;
	v1 =	vadd.f32 v3, v48;
	(pc) =	sbr.rel @p0 .LBB2_3-.Ltmp0, $4  }
0x91: {  	v59 =	vperm.xlane v53, v56;
	v40 =	vadd.f32 v10, v58;
	v36 =	vadd.f32 v52, v51  }
0x92: {  	v26 =	vmovc v54;
	v54 =	vld [tilespmem:$0x1FFF0];
	v44 =	vadd.f32 v12, v57;
	v63 =	vperm.xlane v2, v56;
	v37 =	vadd.f32 v1, v4  }
0x93: {  	v18 =	vld [tilespmem:$0x1FFD0];
	v32 =	vadd.f32 v41, v43;
	v43 =	vadd.f32 v53, v59;
	v42 =	vperm.xlane v36, v56  }
0x94: {  	s22 =	sadd.s32 $0x100, s22;
	v19 =	vld [tilespmem:$0x1FFE0];
	v33 =	vadd.f32 v45, v13;
	v46 =	vadd.f32 v2, v63;
	v45 =	vperm.xlane v37, v56  }
0x95: {  	_ =	sdelay $0x1  }
0x96: {  	v1 =	vadd.f32 v35, v38;
	v2 =	vadd.f32 v36, v42;
	v3 =	vsel vm0, v39, v43  }
0x97: {  	v4 =	vadd.f32 v37, v45;
	v5 =	vsel vm0, v40, v46;
	v6 =	vperm.xlane v3, v18  }
0x98: {  	v2 =	vsel vm0, v44, v2;
	v7 =	vperm.xlane v5, v18  }
0x99: {  	v1 =	vsel vm0, v1, v4;
	v37 =	vperm.xlane v2, v18;
	v3 =	vadd.f32 v3, v6  }
0x9a: {  	v38 =	vperm.xlane v1, v18;
	v5 =	vadd.f32 v5, v7  }
0x9b: {  	v2 =	vadd.f32 v2, v37;
	v39 =	vperm.xlane v3, v19  }
0x9c: {  	v1 =	vadd.f32 v1, v38;
	v40 =	vperm.xlane v5, v19  }
0x9d: {  	v41 =	vperm.xlane v2, v19;
	v3 =	vadd.f32 v3, v39  }
0x9e: {  	v42 =	vperm.xlane v1, v19;
	v5 =	vadd.f32 v5, v40  }
0x9f: {  	v2 =	vadd.f32 v2, v41;
	v43 =	vperm.xlane v3, v54  }
0xa0: {  	v1 =	vadd.f32 v1, v42;
	v44 =	vperm.xlane v5, v54  }
0xa1: {  	v8 =	vimm.s32 $0x0;
	v7 =	vperm.xlane v2, v54;
	v3 =	vadd.f32 v3, v43  }
0xa2: {  	v9 =	vimm.s32 $0x8;
	v45 =	vperm.xlane v1, v54;
	v4 =	vadd.f32 v5, v44  }
0xa3: {  	v2 =	vadd.f32 v2, v7;
	v46 =	vperm.xlane v3, v8;
	v3 =	vperm.xlane v3, v9  }
0xa4: {  	v1 =	vadd.f32 v1, v45;
	v47 =	vperm.xlane v4, v8;
	v4 =	vperm.xlane v4, v9  }
0xa5: {  	v7 =	vperm.xlane v2, v8;
	v2 =	vperm.xlane v2, v9  }
0xa6: {  	v8 =	vperm.xlane v1, v8;
	v1 =	vperm.xlane v1, v9  }
0xa7: {  	v5 =	vmul.f32 $1.562500000e-02, v46;
	v3 =	vmul.f32 $1.562500000e-02, v3  }
0xa8: {  	v6 =	vmul.f32 $1.562500000e-02, v47;
	v7 =	vmul.f32 $1.562500000e-02, v7  }
0xa9: {  	v2 =	vmul.f32 $1.562500000e-02, v2;
	v4 =	vmul.f32 $1.562500000e-02, v4  }
0xaa: {  	v8 =	vmul.f32 $1.562500000e-02, v8;
	v1 =	vmul.f32 $1.562500000e-02, v1  }
0xab: {  	v3 =	vadd.f32 $9.999999740e-06, v3;
	v10 =	vmul.f32 v5, v5;
	v2 =	vadd.f32 $9.999999740e-06, v2  }
0xac: {  	v49 =	vmul.f32 v7, v7;
	v1 =	vadd.f32 $9.999999740e-06, v1;
	v48 =	vmul.f32 v8, v8  }
0xad: {  	v4 =	vadd.f32 $9.999999740e-06, v4;
	v11 =	vmul.f32 v6, v6;
	v3 =	vsub.f32 v3, v10  }
0xae: {  	v2 =	vsub.f32 v2, v49;
	v1 =	vsub.f32 v1, v48  }
0xaf: {  	v4 =	vsub.f32 v4, v11;
	v52 =	vshra.s32 v3, $0x1  }
0xb0: {  	v12 =	vshra.s32 v2, $0x1;
	v3 =	vmul.f32 $5.000000000e-01, v3;
	v50 =	vshra.s32 v1, $0x1  }
0xb1: {  	v2 =	vmul.f32 $5.000000000e-01, v2;
	v13 =	vshra.s32 v4, $0x1;
	v51 =	vsub.s32 $0x5F3759DF, v50  }
0xb2: {  	v1 =	vmul.f32 $5.000000000e-01, v1;
	v13 =	vsub.s32 $0x5F3759DF, v13;
	v53 =	vmul.f32 v51, v51  }
0xb3: {  	v4 =	vmul.f32 $5.000000000e-01, v4;
	v12 =	vsub.s32 $0x5F3759DF, v12;
	v15 =	vmul.f32 v13, v13  }
0xb4: {  	v10 =	vsub.s32 $0x5F3759DF, v52;
	v55 =	vmul.f32 v12, v12;
	v1 =	vmul.f32 v53, v1  }
0xb5: {  	v57 =	vld [tilespmem:$0x1FF40];
	v14 =	vmul.f32 v10, v10;
	v4 =	vmul.f32 v15, v4  }
0xb6: {  	v2 =	vmul.f32 v55, v2;
	v1 =	vsub.f32 $1.500000000e+00, v1  }
0xb7: {  	v0 =	vld [tilespmem:$0x1FF30];
	v3 =	vmul.f32 v14, v3;
	v4 =	vsub.f32 $1.500000000e+00, v4  }
0xb8: {  	v2 =	vsub.f32 $1.500000000e+00, v2;
	v1 =	vmul.f32 v51, v1  }
0xb9: {  	v3 =	vsub.f32 $1.500000000e+00, v3;
	v4 =	vmul.f32 v13, v4;
	v13 =	vld [tilespmem:$0x1FF10]  }
0xba: {  	v2 =	vmul.f32 v12, v2;
	v9 =	vmul.f32 v1, v57  }
0xbb: {  	v14 =	vld [tilespmem:$0x1FF20];
	v3 =	vmul.f32 v10, v3  }
0xbc: {  	v58 =	vmul.f32 v2, v0;
	v9 =	vadd.f32 v9, v20  }
0xbd: {  	v59 =	vmul.f32 v3, v23;
	v8 =	vmul.f32 v1, v8  }
0xbe: {  	v12 =	vmul.f32 v3, v60;
	v13 =	vmul.f32 v4, v13;
	v9 =	vadd.f32 v58, v9  }
0xbf: {  	v63 =	vmul.f32 v4, v61;
	v7 =	vmul.f32 v2, v7;
	v8 =	vadd.f32 v8, v28  }
0xc0: {  	v14 =	vmul.f32 v4, v14;
	v9 =	vadd.f32 v13, v9;
	v13 =	vmul.f32 v1, v25  }
0xc1: {  	v6 =	vmul.f32 v4, v6;
	v17 =	vmul.f32 v1, v17;
	v7 =	vadd.f32 v7, v8  }
0xc2: {  	v15 =	vmul.f32 v2, v24;
	v1 =	vmul.f32 v1, v27;
	v34 =	vadd.f32 v13, v34  }
0xc3: {  	v16 =	vmul.f32 v2, v26;
	v6 =	vadd.f32 v6, v7;
	v13 =	vadd.f32 v17, v32  }
0xc4: {  	v41 =	vld [tilespmem:$0x1FF50];
	v2 =	vmul.f32 v2, v22;
	v1 =	vadd.f32 v1, v33;
	v35 =	vadd.f32 v15, v34  }
0xc5: {  	v42 =	vld [tilespmem:$0x1FF60];
	v5 =	vmul.f32 v3, v5;
	v9 =	vadd.f32 v59, v9;
	v36 =	vadd.f32 v16, v13  }
0xc6: {  	v43 =	vld [tilespmem:$0x1FF90];
	v4 =	vmul.f32 v4, v21;
	v1 =	vadd.f32 v2, v1;
	v37 =	vadd.f32 v63, v35  }
0xc7: {  	v44 =	vld [tilespmem:$0x1FF70];
	v38 =	vmul.f32 v3, v62;
	v5 =	vadd.f32 v5, v6;
	v39 =	vadd.f32 v14, v36  }
0xc8: {  	v45 =	vld [tilespmem:$0x1FFA0];
	v3 =	vmul.f32 v3, v29;
	v1 =	vadd.f32 v4, v1;
	v2 =	vadd.f32 v12, v37  }
0xc9: {  	v46 =	vld [tilespmem:$0x1FF80];
	v6 =	vsub.f32 v9, v5;
	v40 =	vadd.f32 v38, v39  }
0xca: {  	v47 =	vld [tilespmem:$0x1FFB0];
	v1 =	vadd.f32 v3, v1;
	v2 =	vsub.f32 v2, v5  }
0xcb: {  	v48 =	vld [tilespmem:$0x1FFC0];
	v3 =	vmul.f32 v6, v41;
	v4 =	vsub.f32 v40, v5  }
0xcc: {  	v1 =	vsub.f32 v1, v5;
	v2 =	vmul.f32 v2, v42  }
0xcd: {  	s21 =	sshll.u32 s19, $0x7;
	v3 =	vadd.f32 v3, v43;
	v4 =	vmul.f32 v4, v44  }
0xce: {  	s21 =	sand.u32 $0x3FFFFF80, s21;
	v1 =	vmul.f32 v1, v46;
	v2 =	vadd.f32 v2, v45  }
0xcf: {  	[tilespmem:s21+$0xC800] =	vst v3;
	v3 =	vadd.f32 v4, v47  }
0xd0: {  	v1 =	vadd.f32 v1, v48;
	[tilespmem:s21+$0xC810] =	vst v2  }
0xd1: {  	[tilespmem:s21+$0xC820] =	vst v3  }
0xd2: {  	[tilespmem:s21+$0xC830] =	vst v1  }
0xd3: {  	_ =	swait.ge [sflag:s14], $0x2000  }
0xd4: {  	p0 =	seq.s32 s19, $0x3F;
	[sflag:s14] =	ssyncset.done $0x0  }
0xd5: {  	s21 =	smul.u32 @!p0 $0x640, s19;
	[sflag:s14] =	ssyncadd.s32 $0xFFFFE000  }
0xd6: {  	s31 =	simm.s32 $0x96F0;
	_ =	swait.ge [sflag:s14], $0x1200  }
0xd7: {  	s23 =	simm.s32 @!p0 $0x80;
	s21 =	sshra.s32 @!p0 s21, $0x2;
	[sflag:s14] =	ssyncset.done $0x0  }
0xd8: {  	s24 =	simm.s32 @!p0 $0x6400;
	s22 =	sadd.s32 @!p0 $0x190, s21;
	[sflag:s14] =	ssyncadd.s32 $0xFFFFEE00  }
0xd9: {  	[tilespmem:s24], [sflag:$0x1] =	stream.indirect.gather @!p0 [hbm4b:s3+s23], $0x40, s22, s23, $0xb8;
	[tilespmem:$0xE880] =	vst v63  }
0xda: {  	s21 =	sadd.s32 @!p0 $0x210, s21;
	s22 =	simm.s32 @!p0 $0x48;
	s23 =	simm.s32 @!p0 $0x8400  }
0xdb: {  	[tilespmem:s23], [sflag:$0x1] =	stream.indirect.gather @!p0 [hbm4b:s3+s22], $0x40, s21, s22, $0xb8;
	[tilespmem:$0xE880] =	vst v63  }
0xdc: {  	v49 =	vld [tilespmem:s31+$0xFFFFFFD0]  }
0xdd: {  	v50 =	vld [tilespmem:s31+$0xFFFFFFE0]  }
0xde: {  	v61 =	vld [tilespmem:s31+$0xFFFFFFF0]  }
0xdf: {  	v47 =	vld [tilespmem:s31+$0x0]  }
0xe0: {  	v51 =	vld [tilespmem:s31+$0xFFFFFF90]  }
0xe1: {  	v23 =	vld [tilespmem:s31+$0xFFFFFFA0]  }
0xe2: {  	v52 =	vld [tilespmem:s31+$0xFFFFFFB0]  }
0xe3: {  	v21 =	vld [tilespmem:s31+$0xFFFFFFC0]  }
0xe4: {  	v16 =	vld [tilespmem:s31+$0xFFFFFF50]  }
0xe5: {  	v14 =	vld [tilespmem:s31+$0xFFFFFF60]  }
0xe6: {  	v17 =	vld [tilespmem:s31+$0xFFFFFF70]  }
0xe7: {  	v22 =	vld [tilespmem:s31+$0xFFFFFF80]  }
0xe8: {  	v15 =	vld [tilespmem:s31+$0xFFFFFF10]  }
0xe9: {  	v20 =	vimm.f32 $0.0e+00;
	v25 =	vimm.f32 $0.0e+00;
	v27 =	vld [tilespmem:s31+$0xFFFFFF20];
	v53 =	vmul.f32 v49, v49  }
0xea: {  	v32 =	vimm.f32 $0.0e+00;
	v28 =	vld [tilespmem:s31+$0xFFFFFF30];
	v55 =	vmul.f32 v50, v50;
	v57 =	vmul.f32 v61, v61  }
0xeb: {  	v34 =	vimm.f32 $0.0e+00;
	v29 =	vld [tilespmem:s31+$0xFFFFFF40];
	v58 =	vmul.f32 v47, v47;
	v59 =	vmul.f32 v51, v51  }
0xec: {  	v40 =	vmul.f32 v23, v23;
	v7 =	vadd.f32 v50, v49;
	v41 =	vadd.f32 v47, v61  }
0xed: {  	v42 =	vmul.f32 v52, v52;
	v10 =	vadd.f32 v23, v51;
	v11 =	vadd.f32 v21, v52  }
0xee: {  	v12 =	vmul.f32 v21, v21;
	v13 =	vadd.f32 v14, v16;
	v30 =	vadd.f32 v22, v17  }
0xef: {  	v31 =	vadd.f32 v27, v15;
	v43 =	vmul.f32 v16, v16;
	v44 =	vmul.f32 v14, v14  }
0xf0: {  	[tilespmem:$0x1FEA0] =	vst v16;
	v16 =	vadd.f32 v29, v28;
	v45 =	vmul.f32 v17, v17;
	v46 =	vmul.f32 v22, v22  }
0xf1: {  	v24 =	vmovc v50;
	v50 =	vmul.f32 v15, v15;
	v10 =	vadd.f32 v11, v10;
	v7 =	vadd.f32 v41, v7  }
0xf2: {  	[tilespmem:$0x1FE80] =	vst v51;
	v51 =	vmul.f32 v27, v27;
	v1 =	vadd.f32 v55, v53;
	v48 =	vadd.f32 v58, v57  }
0xf3: {  	[tilespmem:$0x1FE70] =	vst v49;
	v49 =	vadd.f32 v30, v13;
	v13 =	vmul.f32 v28, v28;
	v5 =	vadd.f32 v40, v59  }
0xf4: {  	[tilespmem:$0x1FE90] =	vst v52;
	v52 =	vadd.f32 v12, v42;
	v35 =	vadd.f32 v16, v31;
	v53 =	vmul.f32 v29, v29  }
0xf5: {  	[tilespmem:$0x1FEC0] =	vst v15;
	v15 =	vimm.s32 $0x8;
	v12 =	vadd.f32 v44, v43;
	v4 =	vadd.f32 v51, v50  }
0xf6: {  	v30 =	vimm.f32 $0.0e+00;
	v55 =	vadd.f32 v46, v45;
	v9 =	vadd.f32 v53, v13  }
0xf7: {  	v1 =	vadd.f32 v48, v1;
	v57 =	vperm.xlane v7, v56;
	v58 =	vperm.xlane v49, v56  }
0xf8: {  	v5 =	vadd.f32 v52, v5;
	v59 =	vperm.xlane v10, v56;
	v36 =	vadd.f32 v55, v12  }
0xf9: {  	v38 =	vperm.xlane v35, v56;
	v13 =	vimm.s32 $0x0;
	v60 =	vperm.xlane v1, v56  }
0xfa: {  	v37 =	vadd.f32 v9, v4;
	v63 =	vperm.xlane v5, v56;
	v39 =	vadd.f32 v7, v57  }
0xfb: {  	[tilespmem:$0x1FEB0] =	vst v14;
	v42 =	vperm.xlane v36, v56;
	v40 =	vadd.f32 v10, v59;
	v44 =	vadd.f32 v49, v58  }
0xfc: {  	s21 =	simm.s32 $0x0;
	s22 =	simm.s32 $0x97F0;
	v62 =	vmovc v17;
	v43 =	vadd.f32 v1, v60;
	v45 =	vperm.xlane v37, v56;
	v46 =	vadd.f32 v5, v63  }
.LBB2_5:
0xfd: {  	_ = 	snop  }
0xfe: {  	v1 =	vadd.f32 v35, v38;
	v2 =	vadd.f32 v36, v42;
	v3 =	vsel vm0, v39, v43  }
0xff: {  	v41 =	vld [tilespmem:s22+$0xFFFFFFD0];
	v4 =	vadd.f32 v37, v45;
	v5 =	vsel vm0, v40, v46;
	v6 =	vperm.xlane v3, v18  }
0x100: {  	v42 =	vld [tilespmem:s22+$0xFFFFFFE0];
	v2 =	vsel vm0, v44, v2;
	v7 =	vperm.xlane v5, v18  }
0x101: {  	v43 =	vld [tilespmem:s22+$0xFFFFFFF0];
	v1 =	vsel vm0, v1, v4;
	v39 =	vperm.xlane v2, v18;
	v3 =	vadd.f32 v3, v6  }
0x102: {  	v35 =	vld [tilespmem:s22+$0x0];
	v40 =	vperm.xlane v1, v18;
	v5 =	vadd.f32 v5, v7  }
0x103: {  	v46 =	vld [tilespmem:s22+$0xFFFFFF90];
	v2 =	vadd.f32 v2, v39;
	v48 =	vperm.xlane v3, v19  }
0x104: {  	v45 =	vld [tilespmem:s22+$0xFFFFFFB0];
	v51 =	vmul.f32 v41, v41;
	v1 =	vadd.f32 v1, v40;
	v49 =	vperm.xlane v5, v19  }
0x105: {  	v44 =	vld [tilespmem:s22+$0xFFFFFFA0];
	v26 =	vmul.f32 v42, v42;
	v50 =	vperm.xlane v2, v19;
	v3 =	vadd.f32 v3, v48  }
0x106: {  	v52 =	vmul.f32 v43, v43;
	v57 =	vperm.xlane v1, v19;
	v5 =	vadd.f32 v5, v49  }
0x107: {  	v55 =	vmul.f32 v35, v35;
	v2 =	vadd.f32 v2, v50;
	v58 =	vperm.xlane v3, v54  }
0x108: {  	v0 =	vmul.f32 v46, v46;
	v1 =	vadd.f32 v1, v57;
	v60 =	vperm.xlane v5, v54  }
0x109: {  	v38 =	vmul.f32 v45, v45;
	v7 =	vperm.xlane v2, v54;
	v3 =	vadd.f32 v3, v58  }
0x10a: {  	v37 =	vmovc v21;
	v59 =	vmul.f32 v44, v44;
	v8 =	vperm.xlane v1, v54;
	v4 =	vadd.f32 v5, v60  }
0x10b: {  	v21 =	vmovc v61;
	v2 =	vadd.f32 v2, v7;
	v61 =	vperm.xlane v3, v13;
	v3 =	vperm.xlane v3, v15  }
0x10c: {  	v1 =	vadd.f32 v1, v8;
	v63 =	vperm.xlane v4, v13;
	v4 =	vperm.xlane v4, v15  }
0x10d: {  	v40 =	vld [tilespmem:s22+$0xFFFFFFC0];
	v9 =	vperm.xlane v2, v13;
	v2 =	vperm.xlane v2, v15  }
0x10e: {  	v11 =	vperm.xlane v1, v13;
	v1 =	vperm.xlane v1, v15  }
0x10f: {  	v50 =	vmul.f32 $1.562500000e-02, v61;
	v3 =	vmul.f32 $1.562500000e-02, v3  }
0x110: {  	[tilespmem:$0x1FE60] =	vst v59;
	v59 =	vmul.f32 $1.562500000e-02, v63;
	v4 =	vmul.f32 $1.562500000e-02, v4  }
0x111: {  	v53 =	vld [tilespmem:s22+$0xFFFFFF60];
	v12 =	vadd.f32 v44, v46;
	v11 =	vmul.f32 $1.562500000e-02, v11;
	v1 =	vmul.f32 $1.562500000e-02, v1  }
0x112: {  	v5 =	vadd.f32 v40, v45;
	v9 =	vmul.f32 $1.562500000e-02, v9;
	v2 =	vmul.f32 $1.562500000e-02, v2  }
0x113: {  	v1 =	vadd.f32 $9.999999740e-06, v1;
	v57 =	vmul.f32 v11, v11;
	v3 =	vadd.f32 $9.999999740e-06, v3  }
0x114: {  	v31 =	vmovc v62;
	v33 =	vmul.f32 v50, v50;
	v2 =	vadd.f32 $9.999999740e-06, v2;
	v62 =	vmul.f32 v9, v9  }
0x115: {  	v4 =	vadd.f32 $9.999999740e-06, v4;
	v60 =	vmul.f32 v59, v59;
	v1 =	vsub.f32 v1, v57  }
0x116: {  	v19 =	vmul.f32 v53, v53;
	v3 =	vsub.f32 v3, v33;
	v2 =	vsub.f32 v2, v62  }
0x117: {  	v4 =	vsub.f32 v4, v60;
	v33 =	vshra.s32 v1, $0x1;
	v1 =	vmul.f32 $5.000000000e-01, v1  }
0x118: {  	v15 =	vshra.s32 v2, $0x1;
	v61 =	vsub.s32 $0x5F3759DF, v33;
	v33 =	vshra.s32 v3, $0x1  }
0x119: {  	v36 =	vmovc v47;
	v47 =	vld [tilespmem:s22+$0xFFFFFF80];
	v2 =	vmul.f32 $5.000000000e-01, v2;
	v14 =	vmul.f32 v61, v61;
	v62 =	vsub.s32 $0x5F3759DF, v33  }
0x11a: {  	v6 =	vld [tilespmem:s22+$0xFFFFFF50];
	v3 =	vmul.f32 $5.000000000e-01, v3;
	v15 =	vsub.s32 $0x5F3759DF, v15;
	v17 =	vmul.f32 v62, v62  }
0x11b: {  	v10 =	vadd.f32 v35, v43;
	v48 =	vld [tilespmem:s22+$0xFFFFFF10];
	v1 =	vmul.f32 v14, v1;
	v14 =	vmul.f32 v15, v15  }
0x11c: {  	v5 =	vadd.f32 v5, v12;
	v16 =	vshra.s32 v4, $0x1;
	v33 =	vld [tilespmem:$0x1FEC0];
	v3 =	vmul.f32 v17, v3  }
0x11d: {  	v49 =	vld [tilespmem:s22+$0xFFFFFF20];
	v16 =	vsub.s32 $0x5F3759DF, v16;
	v1 =	vsub.f32 $1.500000000e+00, v1;
	v2 =	vmul.f32 v14, v2  }
0x11e: {  	v12 =	vld [tilespmem:$0x1FEA0];
	v4 =	vmul.f32 $5.000000000e-01, v4;
	v14 =	vmul.f32 v16, v16;
	v3 =	vsub.f32 $1.500000000e+00, v3  }
0x11f: {  	v39 =	vmul.f32 v40, v40;
	v54 =	vld [tilespmem:s22+$0xFFFFFF70];
	v1 =	vmul.f32 v61, v1;
	v2 =	vsub.f32 $1.500000000e+00, v2  }
0x120: {  	[tilespmem:$0x1FE50] =	vst v0;
	v0 =	vmovc v25;
	v25 =	vmov v32;
	v4 =	vmul.f32 v14, v4;
	v3 =	vmul.f32 v62, v3  }
0x121: {  	v32 =	vmovc v23;
	v8 =	vadd.f32 v42, v41;
	v63 =	vld [tilespmem:s22+$0xFFFFFF40];
	v61 =	vmul.f32 v1, v33;
	v2 =	vmul.f32 v15, v2  }
0x122: {  	v23 =	vmovc v41;
	v7 =	vadd.f32 v53, v6;
	v58 =	vadd.f32 v49, v48;
	v41 =	vmul.f32 v3, v21;
	v21 =	vld [tilespmem:$0x1FE90]  }
0x123: {  	v60 =	vld [tilespmem:s22+$0xFFFFFF30];
	v4 =	vsub.f32 $1.500000000e+00, v4;
	v15 =	vmovc v6;
	v62 =	vadd.f32 v61, v30;
	v12 =	vmul.f32 v2, v12  }
0x124: {  	v8 =	vadd.f32 v10, v8;
	v13 =	vadd.f32 v47, v54;
	v57 =	vmul.f32 v6, v6;
	[tilespmem:$0x1FEA0] =	vst v15;
	v15 =	vld [tilespmem:$0x1FE70]  }
0x125: {  	v17 =	vmul.f32 v47, v47;
	v4 =	vmul.f32 v16, v4;
	v10 =	vadd.f32 v12, v62;
	v12 =	vld [tilespmem:$0x1FE80]  }
0x126: {  	v7 =	vadd.f32 v13, v7;
	v14 =	vmul.f32 v54, v54;
	v16 =	vmul.f32 v3, v24  }
0x127: {  	v24 =	vmovc v42;
	v42 =	vadd.f32 v55, v52;
	v55 =	vmul.f32 v2, v31;
	v52 =	vmul.f32 v4, v21;
	v21 =	vld [tilespmem:$0x1FEB0]  }
0x128: {  	v13 =	vmovc v53;
	v6 =	vadd.f32 v26, v51;
	v51 =	vmul.f32 v4, v32;
	v53 =	vmul.f32 v4, v37  }
0x129: {  	v18 =	vadd.f32 v63, v60;
	v37 =	vmul.f32 v3, v36;
	v15 =	vmul.f32 v3, v15  }
0x12a: {  	[tilespmem:$0x1FE70] =	vst v23;
	v62 =	vmovc v54;
	v54 =	vmul.f32 v4, v59;
	v26 =	vmul.f32 v4, v12;
	v12 =	vmov v46  }
0x12b: {  	v6 =	vadd.f32 v42, v6;
	[tilespmem:$0x1FE80] =	vst v12;
	v12 =	vmul.f32 v1, v27;
	v27 =	vmul.f32 v1, v28  }
0x12c: {  	v61 =	vmovc v43;
	v43 =	vmul.f32 v2, v21;
	v21 =	vadd.f32 v26, v10;
	v26 =	vmul.f32 v1, v29  }
0x12d: {  	v23 =	vmovc v44;
	v1 =	vmul.f32 v1, v11;
	v34 =	vadd.f32 v12, v34;
	v44 =	vadd.f32 v27, v25  }
0x12e: {  	v12 =	vmul.f32 v2, v22;
	v22 =	vmovc v47;
	v47 =	vmov v35;
	v35 =	vadd.f32 v18, v58  }
0x12f: {  	[tilespmem:$0x1FEB0] =	vst v13;
	v2 =	vmul.f32 v2, v9;
	v30 =	vadd.f32 v15, v21;
	v13 =	vadd.f32 v26, v20  }
0x130: {  	v33 =	vmovc v48;
	v58 =	vperm.xlane v8, v56;
	v1 =	vadd.f32 v1, v0;
	v46 =	vadd.f32 v55, v44  }
0x131: {  	v32 =	vmovc v45;
	v45 =	vadd.f32 v43, v34;
	v43 =	vmul.f32 v48, v33;
	v48 =	vld [tilespmem:$0x1FE60];
	v12 =	vadd.f32 v12, v13  }
0x132: {  	v15 =	vimm.s32 $0x8;
	v27 =	vmovc v49;
	v1 =	vadd.f32 v2, v1;
	v59 =	vadd.f32 v52, v46;
	v46 =	vld [tilespmem:$0x1FE50]  }
0x133: {  	v21 =	vmovc v40;
	v40 =	vmul.f32 v3, v50;
	v44 =	vmul.f32 v49, v27;
	v49 =	vadd.f32 v39, v38  }
0x134: {  	v29 =	vmovc v63;
	v13 =	vimm.s32 $0x0;
	v39 =	vadd.f32 v8, v58;
	v55 =	vadd.f32 v51, v45  }
0x135: {  	v50 =	vmul.f32 v63, v29;
	v51 =	vadd.f32 v19, v57;
	v57 =	vadd.f32 v17, v14  }
0x136: {  	v28 =	vmovc v60;
	v38 =	vperm.xlane v35, v56;
	v11 =	vadd.f32 v53, v12;
	v1 =	vadd.f32 v54, v1  }
0x137: {  	s21 =	sadd.s32 $0x4, s21;
	v45 =	vmul.f32 v60, v28;
	v3 =	vadd.f32 v44, v43;
	v2 =	vadd.f32 v48, v46  }
0x138: {  	p0 =	slt.u32 s21, $0xC4;
	v60 =	vperm.xlane v6, v56;
	v34 =	vadd.f32 v16, v55;
	v25 =	vadd.f32 v40, v1  }
.Ltmp1:
0x139: {  	v12 =	vperm.xlane v7, v56;
	v1 =	vadd.f32 v50, v45;
	v2 =	vadd.f32 v49, v2;
	(pc) =	sbr.rel @p0 .LBB2_5-.Ltmp1, $4  }
0x13a: {  	[tilespmem:$0x1FE90] =	vst v32;
	v32 =	vadd.f32 v41, v59;
	v59 =	vperm.xlane v5, v56;
	v36 =	vadd.f32 v57, v51  }
0x13b: {  	v18 =	vld [tilespmem:$0x1FFD0];
	v20 =	vadd.f32 v37, v11;
	v37 =	vadd.f32 v1, v3;
	v63 =	vperm.xlane v2, v56  }
0x13c: {  	v19 =	vld [tilespmem:$0x1FFE0];
	v43 =	vadd.f32 v6, v60;
	v44 =	vadd.f32 v7, v12;
	v42 =	vperm.xlane v36, v56  }
0x13d: {  	s22 =	sadd.s32 $0x100, s22;
	[tilespmem:$0x1FEC0] =	vst v33;
	v54 =	vld [tilespmem:$0x1FFF0];
	v40 =	vadd.f32 v5, v59;
	v45 =	vperm.xlane v37, v56;
	v46 =	vadd.f32 v2, v63  }
0x13e: {  	_ = 	snop  }
0x13f: {  	v1 =	vadd.f32 v35, v38;
	v2 =	vadd.f32 v36, v42;
	v3 =	vsel vm0, v39, v43  }
0x140: {  	v4 =	vadd.f32 v37, v45;
	v5 =	vsel vm0, v40, v46;
	v6 =	vperm.xlane v3, v18  }
0x141: {  	v2 =	vsel vm0, v44, v2;
	v7 =	vperm.xlane v5, v18  }
0x142: {  	v1 =	vsel vm0, v1, v4;
	v43 =	vperm.xlane v2, v18;
	v3 =	vadd.f32 v3, v6  }
0x143: {  	v44 =	vperm.xlane v1, v18;
	v5 =	vadd.f32 v5, v7  }
0x144: {  	v2 =	vadd.f32 v2, v43;
	v45 =	vperm.xlane v3, v19  }
0x145: {  	v1 =	vadd.f32 v1, v44;
	v46 =	vperm.xlane v5, v19  }
0x146: {  	v48 =	vperm.xlane v2, v19;
	v3 =	vadd.f32 v3, v45  }
0x147: {  	v49 =	vperm.xlane v1, v19;
	v5 =	vadd.f32 v5, v46  }
0x148: {  	v2 =	vadd.f32 v2, v48;
	v50 =	vperm.xlane v3, v54  }
0x149: {  	v1 =	vadd.f32 v1, v49;
	v51 =	vperm.xlane v5, v54  }
0x14a: {  	v7 =	vperm.xlane v2, v54;
	v3 =	vadd.f32 v3, v50  }
0x14b: {  	v52 =	vperm.xlane v1, v54;
	v4 =	vadd.f32 v5, v51  }
0x14c: {  	v2 =	vadd.f32 v2, v7;
	v53 =	vperm.xlane v3, v13;
	v3 =	vperm.xlane v3, v15  }
0x14d: {  	v1 =	vadd.f32 v1, v52;
	v55 =	vperm.xlane v4, v13;
	v4 =	vperm.xlane v4, v15  }
0x14e: {  	v7 =	vperm.xlane v2, v13;
	v2 =	vperm.xlane v2, v15  }
0x14f: {  	v8 =	vperm.xlane v1, v13;
	v1 =	vperm.xlane v1, v15  }
0x150: {  	v5 =	vmul.f32 $1.562500000e-02, v53;
	v3 =	vmul.f32 $1.562500000e-02, v3  }
0x151: {  	v6 =	vmul.f32 $1.562500000e-02, v55;
	v4 =	vmul.f32 $1.562500000e-02, v4  }
0x152: {  	v7 =	vmul.f32 $1.562500000e-02, v7;
	v2 =	vmul.f32 $1.562500000e-02, v2  }
0x153: {  	v8 =	vmul.f32 $1.562500000e-02, v8;
	v1 =	vmul.f32 $1.562500000e-02, v1  }
0x154: {  	v3 =	vadd.f32 $9.999999740e-06, v3;
	v10 =	vmul.f32 v5, v5;
	v4 =	vadd.f32 $9.999999740e-06, v4  }
0x155: {  	v11 =	vmul.f32 v6, v6;
	v2 =	vadd.f32 $9.999999740e-06, v2;
	v57 =	vmul.f32 v7, v7  }
0x156: {  	v1 =	vadd.f32 $9.999999740e-06, v1;
	v9 =	vmul.f32 v8, v8;
	v3 =	vsub.f32 v3, v10  }
0x157: {  	v4 =	vsub.f32 v4, v11;
	v2 =	vsub.f32 v2, v57  }
0x158: {  	v1 =	vsub.f32 v1, v9;
	v60 =	vshra.s32 v3, $0x1;
	v3 =	vmul.f32 $5.000000000e-01, v3  }
0x159: {  	v26 =	vshra.s32 v4, $0x1;
	v4 =	vmul.f32 $5.000000000e-01, v4;
	v12 =	vshra.s32 v2, $0x1  }
0x15a: {  	v2 =	vmul.f32 $5.000000000e-01, v2;
	v10 =	vsub.s32 $0x5F3759DF, v60;
	v13 =	vsub.s32 $0x5F3759DF, v26  }
0x15b: {  	v58 =	vshra.s32 v1, $0x1;
	v1 =	vmul.f32 $5.000000000e-01, v1;
	v12 =	vsub.s32 $0x5F3759DF, v12  }
0x15c: {  	v14 =	vmul.f32 v10, v10;
	v33 =	vmul.f32 v13, v13;
	v59 =	vsub.s32 $0x5F3759DF, v58  }
0x15d: {  	v31 =	vmul.f32 v12, v12;
	v63 =	vmul.f32 v59, v59  }
0x15e: {  	v0 =	vld [tilespmem:$0x1FEA0];
	v3 =	vmul.f32 v14, v3;
	v4 =	vmul.f32 v33, v4  }
0x15f: {  	v37 =	vld [tilespmem:$0x1FE70];
	v2 =	vmul.f32 v31, v2;
	v1 =	vmul.f32 v63, v1  }
0x160: {  	v40 =	vld [tilespmem:$0x1FE80];
	v3 =	vsub.f32 $1.500000000e+00, v3;
	v4 =	vsub.f32 $1.500000000e+00, v4  }
0x161: {  	v42 =	vld [tilespmem:$0x1FE90];
	v2 =	vsub.f32 $1.500000000e+00, v2;
	v1 =	vsub.f32 $1.500000000e+00, v1  }
0x162: {  	v43 =	vld [tilespmem:$0x1FEB0];
	v3 =	vmul.f32 v10, v3;
	v4 =	vmul.f32 v13, v4  }
0x163: {  	v35 =	vld [tilespmem:$0x1FEC0];
	v2 =	vmul.f32 v12, v2;
	v1 =	vmul.f32 v59, v1  }
0x164: {  	v38 =	vmul.f32 v3, v37;
	v39 =	vmul.f32 v3, v24  }
0x165: {  	v13 =	vmul.f32 v4, v40;
	v41 =	vmul.f32 v4, v23  }
0x166: {  	v14 =	vmul.f32 v4, v42;
	v36 =	vmul.f32 v2, v0  }
0x167: {  	v15 =	vmul.f32 v2, v43;
	v16 =	vmul.f32 v2, v62  }
0x168: {  	v9 =	vmul.f32 v1, v35;
	v8 =	vmul.f32 v1, v8  }
0x169: {  	v44 =	vmul.f32 v1, v27;
	v17 =	vmul.f32 v1, v28  }
0x16a: {  	v1 =	vmul.f32 v1, v29;
	v9 =	vadd.f32 v9, v30;
	v8 =	vadd.f32 v8, v25  }
0x16b: {  	v7 =	vmul.f32 v2, v7;
	v45 =	vadd.f32 v44, v34;
	v46 =	vadd.f32 v17, v32  }
0x16c: {  	v2 =	vmul.f32 v2, v22;
	v1 =	vadd.f32 v1, v20;
	v9 =	vadd.f32 v36, v9  }
0x16d: {  	v6 =	vmul.f32 v4, v6;
	v7 =	vadd.f32 v7, v8;
	v48 =	vadd.f32 v15, v45  }
0x16e: {  	v55 =	vld [tilespmem:$0x1FF50];
	v4 =	vmul.f32 v4, v21;
	v49 =	vadd.f32 v16, v46;
	v1 =	vadd.f32 v2, v1  }
0x16f: {  	v57 =	vld [tilespmem:$0x1FF60];
	v5 =	vmul.f32 v3, v5;
	v9 =	vadd.f32 v13, v9;
	v6 =	vadd.f32 v6, v7  }
0x170: {  	v60 =	vld [tilespmem:$0x1FFA0];
	v51 =	vmul.f32 v3, v61;
	v50 =	vadd.f32 v41, v48;
	v1 =	vadd.f32 v4, v1  }
0x171: {  	v58 =	vld [tilespmem:$0x1FF90];
	v3 =	vmul.f32 v3, v47;
	v9 =	vadd.f32 v38, v9;
	v5 =	vadd.f32 v5, v6  }
0x172: {  	v61 =	vld [tilespmem:$0x1FF80];
	v52 =	vadd.f32 v14, v49;
	v2 =	vadd.f32 v39, v50  }
0x173: {  	v59 =	vld [tilespmem:$0x1FF70];
	v1 =	vadd.f32 v3, v1;
	v6 =	vsub.f32 v9, v5  }
0x174: {  	v63 =	vld [tilespmem:$0x1FFC0];
	v53 =	vadd.f32 v51, v52;
	v2 =	vsub.f32 v2, v5  }
0x175: {  	v62 =	vld [tilespmem:$0x1FFB0];
	v1 =	vsub.f32 v1, v5;
	v3 =	vmul.f32 v6, v55  }
0x176: {  	s19 =	sadd.s32 $0x1, s19;
	v4 =	vsub.f32 v53, v5;
	v2 =	vmul.f32 v2, v57  }
0x177: {  	s20 =	sshll.u32 s20, $0x6;
	p0 =	sne.s32 s19, $0x40;
	v1 =	vmul.f32 v1, v61;
	v3 =	vadd.f32 v3, v58  }
.Ltmp2:
0x178: {  	s20 =	sand.u32 $0x3FFFFFC0, s20;
	v4 =	vmul.f32 v4, v59;
	v2 =	vadd.f32 v2, v60;
	(pc) =	sbr.rel @p0 .LBB2_2-.Ltmp2, $4  }
0x179: {  	v1 =	vadd.f32 v1, v63;
	[tilespmem:s20+$0xC800] =	vst v3  }
0x17a: {  	v3 =	vadd.f32 v4, v62;
	[tilespmem:s20+$0xC810] =	vst v2  }
0x17b: {  	[tilespmem:s20+$0xC830] =	vst v1  }
0x17c: {  	[tilespmem:s20+$0xC820] =	vst v3  }
0x17d: {  	s18 =	sadd.s32 $0x1, s18  }
0x17e: {  	p0 =	sne.s32 s18, s7  }
.Ltmp3:
0x17f: {  	_ = 	snop;
	(pc) =	sbr.rel @p0 .LBB2_1-.Ltmp3, $4  }
0x180: {  	[hbm4b:s6+s2] =	stream.linear.scatter [tilespmem:s17], [sflag:$0x2], $0x2000, $0x38;
	[tilespmem:$0xE880] =	vst v63  }
0x181: {  	_ =	swait.ge [sflag:s8], $0x2000  }
0x182: {  	[sflag:s8] =	ssyncset.done $0x0  }
0x183: {  	[sflag:s8] =	ssyncadd.s32 $0xFFFFE000  }
0x184: {  	_ =	sfence.sel $0x180000  }
0x185: {  	[bflag:$0x0] =	sbarrier.arrive $0xFFFF  }
0x186: {  	p0 =	sne.s32 s0, $0x0;
	_ =	strace $0x90000047  }
0x187: {  	s0 =	sadd.s32 @!p0 $0x100000, s1;
	[bflag:$0x2] =	sbarrier.arrive $0xFFFF  }
0x188: {  	[sflag:s0] =	ssyncadd.tile.s32 @!p0 $0x1;
	_ =	shalt  }
.Lfunc_end2:
_tile_overlayer_lowered:
.L_overlay_start_2:
0x189: {  	(tag) =	ssettag $0x2  }
0x18a: {  	s0 =	rddreg [dreg:$0x0];
	s2 =	stileid.u32  }
0x18b: {  	s1 =	rddreg [dreg:$0x1];
	p0 =	sne.s32 s2, $0x0  }
0x18c: {  	s3 =	rddreg [dreg:$0x2];
	[bflag:$0x3] =	sbarrier.arrive $0xFFFF;
	s2 =	simm.s32 @!p0 $0x1C02  }
0x18d: {  	[timem:s3], [sflag:s2] =	dma.local @!p0 [hbm:s0], s1  }
0x18e: {  	s0 =	simm.s32 @!p0 $0x2  }
0x18f: {  	_ =	swait.ge @!p0 [sflag:s0], s1  }
0x190: {  	s1 =	ssub.s32 @!p0 $0x0, s1;
	[sflag:s0] =	ssyncset.done @!p0 $0x0  }
0x191: {  	[sflag:s0] =	ssyncadd.s32 @!p0 s1  }
0x192: {  	[bflag:$0x3] =	sbarrier.arrive $0xFFFF  }
0x193: {  	_ =	shalt  }

</sc_bundles>
